<compile_context>
chip_gen: v7x
topology: tpu7x:2x2x1
jax: 0.10.2.dev20260603
libtpu: 0.0.44.dev20260713+nightly
codegen_flags: <defaults>
</compile_context>

<pallas_src>
import jax
import jax.numpy as jnp
from jax import lax
from jax.experimental import pallas as pl
from jax.experimental.pallas import tpu as pltpu
from jax.experimental.pallas import tpu_sc as plsc

BATCH = 16384
FIELDS = 100
TOTAL = BATCH * FIELDS
VOCAB = 1_000_000

_info = plsc.get_sparse_core_info()
NC, NS = _info.num_cores, _info.num_subcores
NW = NC * NS
B_PER_W = TOTAL // NW
CH = 6_400
N_CHUNKS = B_PER_W // CH
MAIN = 999_424
TAIL = VOCAB - MAIN
STAGE_CH = 15_616
N_STAGE = MAIN // STAGE_CH


def _gather_kernel(table_hbm, tail_hbm, idx_hbm, out_hbm, tab_sp, idx_v0,
                   idx_v1, rows_v0, rows_v1, stage_v0, stage_v1, sem_i0,
                   sem_i1, sem_g0, sem_g1, sem_o0, sem_o1):
    idx_v = (idx_v0, idx_v1)
    rows_v = (rows_v0, rows_v1)
    sem_i = (sem_i0, sem_i1)
    sem_g = (sem_g0, sem_g1)
    sem_o = (sem_o0, sem_o1)
    sid = lax.axis_index("s")
    wid = sid * NC + lax.axis_index("c")
    base = wid * B_PER_W

    def idx_copy(c):
        s = c % 2
        return pltpu.make_async_copy(
            idx_hbm.at[pl.ds(base + c * CH, CH)], idx_v[s], sem_i[s])

    def gather_copy(c):
        s = c % 2
        return pltpu.make_async_copy(
            tab_sp.at[idx_v[s]], rows_v[s], sem_g[s])

    def out_copy(c):
        s = c % 2
        return pltpu.make_async_copy(
            rows_v[s], out_hbm.at[pl.ds(base + c * CH, CH)], sem_o[s])

    idx_copy(0).start()
    idx_copy(1).start()

    K_STAGE = N_STAGE // NS
    stage_b = (stage_v0, stage_v1)
    sem_h = (sem_g0, sem_g1)
    sem_t = (sem_o0, sem_o1)

    def h2t(k):
        s = k % 2
        off = (sid + NS * k) * STAGE_CH
        return pltpu.make_async_copy(
            table_hbm.at[pl.ds(off, STAGE_CH)], stage_b[s], sem_h[s])

    def t2s(k):
        s = k % 2
        off = (sid + NS * k) * STAGE_CH
        return pltpu.make_async_copy(
            stage_b[s], tab_sp.at[pl.ds(off, STAGE_CH)], sem_t[s])

    h2t(0).start()
    for k in range(K_STAGE):
        h2t(k).wait()
        t2s(k).start()
        if k + 1 < K_STAGE:
            if k >= 1:
                t2s(k - 1).wait()
            h2t(k + 1).start()
    t2s(K_STAGE - 2).wait()
    t2s(K_STAGE - 1).wait()

    @pl.when(sid == 0)
    def _stage_tail():
        pltpu.sync_copy(tail_hbm, stage_v0.at[pl.ds(0, TAIL)])
        pltpu.sync_copy(stage_v0.at[pl.ds(0, TAIL)], tab_sp.at[pl.ds(MAIN, TAIL)])

    plsc.subcore_barrier()

    idx_copy(0).wait()
    gather_copy(0).start()
    idx_copy(1).wait()
    gather_copy(1).start()
    for c in range(N_CHUNKS):
        gather_copy(c).wait()
        out_copy(c).start()
        if c + 2 < N_CHUNKS:
            idx_copy(c + 2).start()
            out_copy(c).wait()
            idx_copy(c + 2).wait()
            gather_copy(c + 2).start()
    out_copy(N_CHUNKS - 2).wait()
    out_copy(N_CHUNKS - 1).wait()


@jax.jit
def kernel(inputs, table):
    idx = inputs.T.reshape(-1)
    main1d = lax.slice(table, (0, 0), (MAIN, 1)).reshape(-1)
    tail1d = lax.slice(table, (MAIN, 0), (VOCAB, 1)).reshape(-1)
    mesh = plsc.VectorSubcoreMesh(core_axis_name="c", subcore_axis_name="s")
    out = pl.kernel(
        _gather_kernel,
        mesh=mesh,
        out_type=jax.ShapeDtypeStruct((TOTAL,), jnp.float32),
        scratch_types=[
            pltpu.VMEM_SHARED((VOCAB,), jnp.float32),
            pltpu.VMEM((CH,), jnp.int32),
            pltpu.VMEM((CH,), jnp.int32),
            pltpu.VMEM((CH,), jnp.float32),
            pltpu.VMEM((CH,), jnp.float32),
            pltpu.VMEM((STAGE_CH,), jnp.float32),
            pltpu.VMEM((STAGE_CH,), jnp.float32),
            pltpu.SemaphoreType.DMA,
            pltpu.SemaphoreType.DMA,
            pltpu.SemaphoreType.DMA,
            pltpu.SemaphoreType.DMA,
            pltpu.SemaphoreType.DMA,
            pltpu.SemaphoreType.DMA,
        ],
    )(main1d, tail1d, idx)
    return out.reshape(FIELDS, BATCH).T

# --- scband reference (transcript-rebuilt; emitter-appended) ---
"""Pipeline reference for scband-embed-squeeze-34565896798243 (READ-ONLY COPY).

The authoritative reference and input builder live on the scoring server;
editing this copy changes nothing except your own understanding.
"""

import jax, jax.numpy as jnp
import numpy as np

DIM = 1000000  # vocab size (init kwarg 'dim')
BATCH = 16384
FIELDS = 100

def setup_inputs(seed: int = 0) -> dict:
    key = jax.random.key(seed)
    k_idx, k_tab = jax.random.split(key)
    inputs = jax.random.randint(k_idx, (BATCH, FIELDS), 0, DIM, dtype=jnp.int64 if jax.config.jax_enable_x64 else jnp.int32).astype(jnp.int32)
    table = jax.random.normal(k_tab, (DIM, 1), dtype=jnp.float32) * 0.05
    return {"inputs": inputs, "table": table}

def reference(inputs, table):
    # Embedding lookup: [B, F] -> [B, F, 1]
    x = jnp.take(table, inputs, axis=0)
    # Reshape((-1,)) flattens all non-batch dims: [B, F, 1] -> [B, F]
    out = x.reshape(x.shape[0], -1)
    return out

if __name__ == "__main__":
    import jax
    _d = setup_inputs()
    print(jax.jit(kernel)(*tuple(_d.values())))

</pallas_src>

<mosaic_0001>
#map = affine_map<(d0, d1) -> (0)>
module attributes {stable_mosaic.version = 14 : i64} {
  func.func @_gather_kernel(%arg0: i32, %arg1: i32, %arg2: memref<999424xf32, #tpu.memory_space<hbm>>, %arg3: memref<576xf32, #tpu.memory_space<hbm>>, %arg4: memref<1638400xi32, #tpu.memory_space<hbm>>, %arg5: memref<1638400xf32, #tpu.memory_space<hbm>>, %arg6: memref<1000000xf32, #tpu.memory_space<vmem_shared>>, %arg7: memref<6400xi32, #tpu.memory_space<vmem>>, %arg8: memref<6400xi32, #tpu.memory_space<vmem>>, %arg9: memref<6400xf32, #tpu.memory_space<vmem>>, %arg10: memref<6400xf32, #tpu.memory_space<vmem>>, %arg11: memref<15616xf32, #tpu.memory_space<vmem>>, %arg12: memref<15616xf32, #tpu.memory_space<vmem>>, %arg13: memref<!tpu.dma_semaphore, #tpu.memory_space<semaphore_mem>>, %arg14: memref<!tpu.dma_semaphore, #tpu.memory_space<semaphore_mem>>, %arg15: memref<!tpu.dma_semaphore, #tpu.memory_space<semaphore_mem>>, %arg16: memref<!tpu.dma_semaphore, #tpu.memory_space<semaphore_mem>>, %arg17: memref<!tpu.dma_semaphore, #tpu.memory_space<semaphore_mem>>, %arg18: memref<!tpu.dma_semaphore, #tpu.memory_space<semaphore_mem>>) attributes {dimension_semantics = [#tpu.dimension_semantics<core_parallel>, #tpu.dimension_semantics<subcore_parallel>], iteration_bounds = array<i64: 2, 16>, scalar_prefetch = 0 : i64, scratch_operands = 13 : i64, tpu.core_type = #tpu.core_type<sc_vector_subcore>, window_params = [{transform_indices = #map}, {transform_indices = #map}, {transform_indices = #map}, {transform_indices = #map}]} {
    %mul3A = arith.constant 2 : i32
    %mul3A_0 = arith.muli %arg1, %mul3A : i32
    %add3A = arith.addi %mul3A_0, %arg0 : i32
    %mul3A_1 = arith.constant 51200 : i32
    %mul3A_2 = arith.muli %add3A, %mul3A_1 : i32
    %add3A_3 = arith.constant 0 : i32
    %add3A_4 = arith.addi %mul3A_2, %add3A_3 : i32
    %dma_start3A = tpu.memref_slice %arg4[%add3A_4] : memref<1638400xi32, #tpu.memory_space<hbm>> -> memref<6400xi32, #tpu.memory_space<hbm>>
    %dma_start3A_5 = tpu.memref_slice %arg4[%add3A_4] : memref<1638400xi32, #tpu.memory_space<hbm>> -> memref<6400xi32, #tpu.memory_space<hbm>>
    tpu.enqueue_dma source(%dma_start3A_5 : memref<6400xi32, #tpu.memory_space<hbm>>) target(%arg7 : memref<6400xi32, #tpu.memory_space<vmem>>) target_semaphore(%arg13 : memref<!tpu.dma_semaphore, #tpu.memory_space<semaphore_mem>>)
    %add3A_6 = arith.constant 6400 : i32
    %add3A_7 = arith.addi %mul3A_2, %add3A_6 : i32
    %dma_start3A_8 = tpu.memref_slice %arg4[%add3A_7] : memref<1638400xi32, #tpu.memory_space<hbm>> -> memref<6400xi32, #tpu.memory_space<hbm>>
    %dma_start3A_9 = tpu.memref_slice %arg4[%add3A_7] : memref<1638400xi32, #tpu.memory_space<hbm>> -> memref<6400xi32, #tpu.memory_space<hbm>>
    tpu.enqueue_dma source(%dma_start3A_9 : memref<6400xi32, #tpu.memory_space<hbm>>) target(%arg8 : memref<6400xi32, #tpu.memory_space<vmem>>) target_semaphore(%arg14 : memref<!tpu.dma_semaphore, #tpu.memory_space<semaphore_mem>>)
    %add3A_10 = arith.constant 0 : i32
    %add3A_11 = arith.addi %arg1, %add3A_10 : i32
    %mul3A_12 = arith.constant 15616 : i32
    %mul3A_13 = arith.muli %add3A_11, %mul3A_12 : i32
    %dma_start3A_14 = tpu.memref_slice %arg2[%mul3A_13] : memref<999424xf32, #tpu.memory_space<hbm>> -> memref<15616xf32, #tpu.memory_space<hbm>>
    %dma_start3A_15 = tpu.memref_slice %arg2[%mul3A_13] : memref<999424xf32, #tpu.memory_space<hbm>> -> memref<15616xf32, #tpu.memory_space<hbm>>
    tpu.enqueue_dma source(%dma_start3A_15 : memref<15616xf32, #tpu.memory_space<hbm>>) target(%arg11 : memref<15616xf32, #tpu.memory_space<vmem>>) target_semaphore(%arg15 : memref<!tpu.dma_semaphore, #tpu.memory_space<semaphore_mem>>)
    %add3A_16 = arith.constant 0 : i32
    %add3A_17 = arith.addi %arg1, %add3A_16 : i32
    %mul3A_18 = arith.constant 15616 : i32
    %mul3A_19 = arith.muli %add3A_17, %mul3A_18 : i32
    %dma_wait3A = tpu.memref_slice %arg2[%mul3A_19] : memref<999424xf32, #tpu.memory_space<hbm>> -> memref<15616xf32, #tpu.memory_space<hbm>>
    %dma_wait3A_20 = tpu.memref_slice %arg2[%mul3A_19] : memref<999424xf32, #tpu.memory_space<hbm>> -> memref<15616xf32, #tpu.memory_space<hbm>>
    tpu.wait_dma2 semaphore(%arg15 : memref<!tpu.dma_semaphore, #tpu.memory_space<semaphore_mem>>) src(%dma_wait3A_20 : memref<15616xf32, #tpu.memory_space<hbm>>) dst(%arg11 : memref<15616xf32, #tpu.memory_space<vmem>>)
    %add3A_21 = arith.constant 0 : i32
    %add3A_22 = arith.addi %arg1, %add3A_21 : i32
    %mul3A_23 = arith.constant 15616 : i32
    %mul3A_24 = arith.muli %add3A_22, %mul3A_23 : i32
    %dma_start3A_25 = tpu.memref_slice %arg6[%mul3A_24] : memref<1000000xf32, #tpu.memory_space<vmem_shared>> -> memref<15616xf32, #tpu.memory_space<vmem_shared>>
    %dma_start3A_26 = tpu.memref_slice %arg6[%mul3A_24] : memref<1000000xf32, #tpu.memory_space<vmem_shared>> -> memref<15616xf32, #tpu.memory_space<vmem_shared>>
    tpu.enqueue_dma source(%arg11 : memref<15616xf32, #tpu.memory_space<vmem>>) target(%dma_start3A_26 : memref<15616xf32, #tpu.memory_space<vmem_shared>>) target_semaphore(%arg17 : memref<!tpu.dma_semaphore, #tpu.memory_space<semaphore_mem>>)
    %add3A_27 = arith.constant 16 : i32
    %add3A_28 = arith.addi %arg1, %add3A_27 : i32
    %mul3A_29 = arith.constant 15616 : i32
    %mul3A_30 = arith.muli %add3A_28, %mul3A_29 : i32
    %dma_start3A_31 = tpu.memref_slice %arg2[%mul3A_30] : memref<999424xf32, #tpu.memory_space<hbm>> -> memref<15616xf32, #tpu.memory_space<hbm>>
    %dma_start3A_32 = tpu.memref_slice %arg2[%mul3A_30] : memref<999424xf32, #tpu.memory_space<hbm>> -> memref<15616xf32, #tpu.memory_space<hbm>>
    tpu.enqueue_dma source(%dma_start3A_32 : memref<15616xf32, #tpu.memory_space<hbm>>) target(%arg12 : memref<15616xf32, #tpu.memory_space<vmem>>) target_semaphore(%arg16 : memref<!tpu.dma_semaphore, #tpu.memory_space<semaphore_mem>>)
    %add3A_33 = arith.constant 16 : i32
    %add3A_34 = arith.addi %arg1, %add3A_33 : i32
    %mul3A_35 = arith.constant 15616 : i32
    %mul3A_36 = arith.muli %add3A_34, %mul3A_35 : i32
    %dma_wait3A_37 = tpu.memref_slice %arg2[%mul3A_36] : memref<999424xf32, #tpu.memory_space<hbm>> -> memref<15616xf32, #tpu.memory_space<hbm>>
    %dma_wait3A_38 = tpu.memref_slice %arg2[%mul3A_36] : memref<999424xf32, #tpu.memory_space<hbm>> -> memref<15616xf32, #tpu.memory_space<hbm>>
    tpu.wait_dma2 semaphore(%arg16 : memref<!tpu.dma_semaphore, #tpu.memory_space<semaphore_mem>>) src(%dma_wait3A_38 : memref<15616xf32, #tpu.memory_space<hbm>>) dst(%arg12 : memref<15616xf32, #tpu.memory_space<vmem>>)
    %add3A_39 = arith.constant 16 : i32
    %add3A_40 = arith.addi %arg1, %add3A_39 : i32
    %mul3A_41 = arith.constant 15616 : i32
    %mul3A_42 = arith.muli %add3A_40, %mul3A_41 : i32
    %dma_start3A_43 = tpu.memref_slice %arg6[%mul3A_42] : memref<1000000xf32, #tpu.memory_space<vmem_shared>> -> memref<15616xf32, #tpu.memory_space<vmem_shared>>
    %dma_start3A_44 = tpu.memref_slice %arg6[%mul3A_42] : memref<1000000xf32, #tpu.memory_space<vmem_shared>> -> memref<15616xf32, #tpu.memory_space<vmem_shared>>
    tpu.enqueue_dma source(%arg12 : memref<15616xf32, #tpu.memory_space<vmem>>) target(%dma_start3A_44 : memref<15616xf32, #tpu.memory_space<vmem_shared>>) target_semaphore(%arg18 : memref<!tpu.dma_semaphore, #tpu.memory_space<semaphore_mem>>)
    %add3A_45 = arith.constant 0 : i32
    %add3A_46 = arith.addi %arg1, %add3A_45 : i32
    %mul3A_47 = arith.constant 15616 : i32
    %mul3A_48 = arith.muli %add3A_46, %mul3A_47 : i32
    %dma_wait3A_49 = tpu.memref_slice %arg6[%mul3A_48] : memref<1000000xf32, #tpu.memory_space<vmem_shared>> -> memref<15616xf32, #tpu.memory_space<vmem_shared>>
    %dma_wait3A_50 = tpu.memref_slice %arg6[%mul3A_48] : memref<1000000xf32, #tpu.memory_space<vmem_shared>> -> memref<15616xf32, #tpu.memory_space<vmem_shared>>
    tpu.wait_dma2 semaphore(%arg17 : memref<!tpu.dma_semaphore, #tpu.memory_space<semaphore_mem>>) src(%arg11 : memref<15616xf32, #tpu.memory_space<vmem>>) dst(%dma_wait3A_50 : memref<15616xf32, #tpu.memory_space<vmem_shared>>)
    %add3A_51 = arith.constant 32 : i32
    %add3A_52 = arith.addi %arg1, %add3A_51 : i32
    %mul3A_53 = arith.constant 15616 : i32
    %mul3A_54 = arith.muli %add3A_52, %mul3A_53 : i32
    %dma_start3A_55 = tpu.memref_slice %arg2[%mul3A_54] : memref<999424xf32, #tpu.memory_space<hbm>> -> memref<15616xf32, #tpu.memory_space<hbm>>
    %dma_start3A_56 = tpu.memref_slice %arg2[%mul3A_54] : memref<999424xf32, #tpu.memory_space<hbm>> -> memref<15616xf32, #tpu.memory_space<hbm>>
    tpu.enqueue_dma source(%dma_start3A_56 : memref<15616xf32, #tpu.memory_space<hbm>>) target(%arg11 : memref<15616xf32, #tpu.memory_space<vmem>>) target_semaphore(%arg15 : memref<!tpu.dma_semaphore, #tpu.memory_space<semaphore_mem>>)
    %add3A_57 = arith.constant 32 : i32
    %add3A_58 = arith.addi %arg1, %add3A_57 : i32
    %mul3A_59 = arith.constant 15616 : i32
    %mul3A_60 = arith.muli %add3A_58, %mul3A_59 : i32
    %dma_wait3A_61 = tpu.memref_slice %arg2[%mul3A_60] : memref<999424xf32, #tpu.memory_space<hbm>> -> memref<15616xf32, #tpu.memory_space<hbm>>
    %dma_wait3A_62 = tpu.memref_slice %arg2[%mul3A_60] : memref<999424xf32, #tpu.memory_space<hbm>> -> memref<15616xf32, #tpu.memory_space<hbm>>
    tpu.wait_dma2 semaphore(%arg15 : memref<!tpu.dma_semaphore, #tpu.memory_space<semaphore_mem>>) src(%dma_wait3A_62 : memref<15616xf32, #tpu.memory_space<hbm>>) dst(%arg11 : memref<15616xf32, #tpu.memory_space<vmem>>)
    %add3A_63 = arith.constant 32 : i32
    %add3A_64 = arith.addi %arg1, %add3A_63 : i32
    %mul3A_65 = arith.constant 15616 : i32
    %mul3A_66 = arith.muli %add3A_64, %mul3A_65 : i32
    %dma_start3A_67 = tpu.memref_slice %arg6[%mul3A_66] : memref<1000000xf32, #tpu.memory_space<vmem_shared>> -> memref<15616xf32, #tpu.memory_space<vmem_shared>>
    %dma_start3A_68 = tpu.memref_slice %arg6[%mul3A_66] : memref<1000000xf32, #tpu.memory_space<vmem_shared>> -> memref<15616xf32, #tpu.memory_space<vmem_shared>>
    tpu.enqueue_dma source(%arg11 : memref<15616xf32, #tpu.memory_space<vmem>>) target(%dma_start3A_68 : memref<15616xf32, #tpu.memory_space<vmem_shared>>) target_semaphore(%arg17 : memref<!tpu.dma_semaphore, #tpu.memory_space<semaphore_mem>>)
    %add3A_69 = arith.constant 16 : i32
    %add3A_70 = arith.addi %arg1, %add3A_69 : i32
    %mul3A_71 = arith.constant 15616 : i32
    %mul3A_72 = arith.muli %add3A_70, %mul3A_71 : i32
    %dma_wait3A_73 = tpu.memref_slice %arg6[%mul3A_72] : memref<1000000xf32, #tpu.memory_space<vmem_shared>> -> memref<15616xf32, #tpu.memory_space<vmem_shared>>
    %dma_wait3A_74 = tpu.memref_slice %arg6[%mul3A_72] : memref<1000000xf32, #tpu.memory_space<vmem_shared>> -> memref<15616xf32, #tpu.memory_space<vmem_shared>>
    tpu.wait_dma2 semaphore(%arg18 : memref<!tpu.dma_semaphore, #tpu.memory_space<semaphore_mem>>) src(%arg12 : memref<15616xf32, #tpu.memory_space<vmem>>) dst(%dma_wait3A_74 : memref<15616xf32, #tpu.memory_space<vmem_shared>>)
    %add3A_75 = arith.constant 48 : i32
    %add3A_76 = arith.addi %arg1, %add3A_75 : i32
    %mul3A_77 = arith.constant 15616 : i32
    %mul3A_78 = arith.muli %add3A_76, %mul3A_77 : i32
    %dma_start3A_79 = tpu.memref_slice %arg2[%mul3A_78] : memref<999424xf32, #tpu.memory_space<hbm>> -> memref<15616xf32, #tpu.memory_space<hbm>>
    %dma_start3A_80 = tpu.memref_slice %arg2[%mul3A_78] : memref<999424xf32, #tpu.memory_space<hbm>> -> memref<15616xf32, #tpu.memory_space<hbm>>
    tpu.enqueue_dma source(%dma_start3A_80 : memref<15616xf32, #tpu.memory_space<hbm>>) target(%arg12 : memref<15616xf32, #tpu.memory_space<vmem>>) target_semaphore(%arg16 : memref<!tpu.dma_semaphore, #tpu.memory_space<semaphore_mem>>)
    %add3A_81 = arith.constant 48 : i32
    %add3A_82 = arith.addi %arg1, %add3A_81 : i32
    %mul3A_83 = arith.constant 15616 : i32
    %mul3A_84 = arith.muli %add3A_82, %mul3A_83 : i32
    %dma_wait3A_85 = tpu.memref_slice %arg2[%mul3A_84] : memref<999424xf32, #tpu.memory_space<hbm>> -> memref<15616xf32, #tpu.memory_space<hbm>>
    %dma_wait3A_86 = tpu.memref_slice %arg2[%mul3A_84] : memref<999424xf32, #tpu.memory_space<hbm>> -> memref<15616xf32, #tpu.memory_space<hbm>>
    tpu.wait_dma2 semaphore(%arg16 : memref<!tpu.dma_semaphore, #tpu.memory_space<semaphore_mem>>) src(%dma_wait3A_86 : memref<15616xf32, #tpu.memory_space<hbm>>) dst(%arg12 : memref<15616xf32, #tpu.memory_space<vmem>>)
    %add3A_87 = arith.constant 48 : i32
    %add3A_88 = arith.addi %arg1, %add3A_87 : i32
    %mul3A_89 = arith.constant 15616 : i32
    %mul3A_90 = arith.muli %add3A_88, %mul3A_89 : i32
    %dma_start3A_91 = tpu.memref_slice %arg6[%mul3A_90] : memref<1000000xf32, #tpu.memory_space<vmem_shared>> -> memref<15616xf32, #tpu.memory_space<vmem_shared>>
    %dma_start3A_92 = tpu.memref_slice %arg6[%mul3A_90] : memref<1000000xf32, #tpu.memory_space<vmem_shared>> -> memref<15616xf32, #tpu.memory_space<vmem_shared>>
    tpu.enqueue_dma source(%arg12 : memref<15616xf32, #tpu.memory_space<vmem>>) target(%dma_start3A_92 : memref<15616xf32, #tpu.memory_space<vmem_shared>>) target_semaphore(%arg18 : memref<!tpu.dma_semaphore, #tpu.memory_space<semaphore_mem>>)
    %add3A_93 = arith.constant 32 : i32
    %add3A_94 = arith.addi %arg1, %add3A_93 : i32
    %mul3A_95 = arith.constant 15616 : i32
    %mul3A_96 = arith.muli %add3A_94, %mul3A_95 : i32
    %dma_wait3A_97 = tpu.memref_slice %arg6[%mul3A_96] : memref<1000000xf32, #tpu.memory_space<vmem_shared>> -> memref<15616xf32, #tpu.memory_space<vmem_shared>>
    %dma_wait3A_98 = tpu.memref_slice %arg6[%mul3A_96] : memref<1000000xf32, #tpu.memory_space<vmem_shared>> -> memref<15616xf32, #tpu.memory_space<vmem_shared>>
    tpu.wait_dma2 semaphore(%arg17 : memref<!tpu.dma_semaphore, #tpu.memory_space<semaphore_mem>>) src(%arg11 : memref<15616xf32, #tpu.memory_space<vmem>>) dst(%dma_wait3A_98 : memref<15616xf32, #tpu.memory_space<vmem_shared>>)
    %add3A_99 = arith.constant 48 : i32
    %add3A_100 = arith.addi %arg1, %add3A_99 : i32
    %mul3A_101 = arith.constant 15616 : i32
    %mul3A_102 = arith.muli %add3A_100, %mul3A_101 : i32
    %dma_wait3A_103 = tpu.memref_slice %arg6[%mul3A_102] : memref<1000000xf32, #tpu.memory_space<vmem_shared>> -> memref<15616xf32, #tpu.memory_space<vmem_shared>>
    %dma_wait3A_104 = tpu.memref_slice %arg6[%mul3A_102] : memref<1000000xf32, #tpu.memory_space<vmem_shared>> -> memref<15616xf32, #tpu.memory_space<vmem_shared>>
    tpu.wait_dma2 semaphore(%arg18 : memref<!tpu.dma_semaphore, #tpu.memory_space<semaphore_mem>>) src(%arg12 : memref<15616xf32, #tpu.memory_space<vmem>>) dst(%dma_wait3A_104 : memref<15616xf32, #tpu.memory_space<vmem_shared>>)
    %eq3A = arith.constant 0 : i32
    %eq3A_105 = arith.cmpi eq, %arg1, %eq3A : i32
    %convert_element_type3A = arith.extui %eq3A_105 : i1 to i32
    %cond3A = arith.constant 0 : i32
    %cond3A_106 = arith.cmpi ne, %convert_element_type3A, %cond3A : i32
    scf.if %cond3A_106 {
      "tpu.region"() ({
        %run_scoped3A = tpu.sem_alloc : memref<!tpu.dma_semaphore, #tpu.memory_space<semaphore_mem>>
        %dma_start3A_259 = arith.constant 0 : i32
        %dma_start3A_260 = tpu.memref_slice %arg11[%dma_start3A_259] : memref<15616xf32, #tpu.memory_space<vmem>> -> memref<576xf32, #tpu.memory_space<vmem>>
        %dma_start3A_261 = arith.constant 0 : i32
        %dma_start3A_262 = tpu.memref_slice %arg11[%dma_start3A_261] : memref<15616xf32, #tpu.memory_space<vmem>> -> memref<576xf32, #tpu.memory_space<vmem>>
        tpu.enqueue_dma source(%arg3 : memref<576xf32, #tpu.memory_space<hbm>>) target(%dma_start3A_262 : memref<576xf32, #tpu.memory_space<vmem>>) target_semaphore(%run_scoped3A : memref<!tpu.dma_semaphore, #tpu.memory_space<semaphore_mem>>)
        %dma_wait3A_263 = arith.constant 0 : i32
        %dma_wait3A_264 = tpu.memref_slice %arg11[%dma_wait3A_263] : memref<15616xf32, #tpu.memory_space<vmem>> -> memref<576xf32, #tpu.memory_space<vmem>>
        %dma_wait3A_265 = arith.constant 0 : i32
        %dma_wait3A_266 = tpu.memref_slice %arg11[%dma_wait3A_265] : memref<15616xf32, #tpu.memory_space<vmem>> -> memref<576xf32, #tpu.memory_space<vmem>>
        tpu.wait_dma2 semaphore(%run_scoped3A : memref<!tpu.dma_semaphore, #tpu.memory_space<semaphore_mem>>) src(%arg3 : memref<576xf32, #tpu.memory_space<hbm>>) dst(%dma_wait3A_266 : memref<576xf32, #tpu.memory_space<vmem>>)
        tpu.yield
      }) : () -> ()
      "tpu.region"() ({
        %run_scoped3A = tpu.sem_alloc : memref<!tpu.dma_semaphore, #tpu.memory_space<semaphore_mem>>
        %dma_start3A_259 = arith.constant 0 : i32
        %dma_start3A_260 = tpu.memref_slice %arg11[%dma_start3A_259] : memref<15616xf32, #tpu.memory_space<vmem>> -> memref<576xf32, #tpu.memory_space<vmem>>
        %dma_start3A_261 = arith.constant 999424 : i32
        %dma_start3A_262 = tpu.memref_slice %arg6[%dma_start3A_261] : memref<1000000xf32, #tpu.memory_space<vmem_shared>> -> memref<576xf32, #tpu.memory_space<vmem_shared>>
        %dma_start3A_263 = arith.constant 999424 : i32
        %dma_start3A_264 = tpu.memref_slice %arg6[%dma_start3A_263] : memref<1000000xf32, #tpu.memory_space<vmem_shared>> -> memref<576xf32, #tpu.memory_space<vmem_shared>>
        %dma_start3A_265 = arith.constant 0 : i32
        %dma_start3A_266 = tpu.memref_slice %arg11[%dma_start3A_265] : memref<15616xf32, #tpu.memory_space<vmem>> -> memref<576xf32, #tpu.memory_space<vmem>>
        tpu.enqueue_dma source(%dma_start3A_266 : memref<576xf32, #tpu.memory_space<vmem>>) target(%dma_start3A_264 : memref<576xf32, #tpu.memory_space<vmem_shared>>) target_semaphore(%run_scoped3A : memref<!tpu.dma_semaphore, #tpu.memory_space<semaphore_mem>>)
        %dma_wait3A_267 = arith.constant 0 : i32
        %dma_wait3A_268 = tpu.memref_slice %arg11[%dma_wait3A_267] : memref<15616xf32, #tpu.memory_space<vmem>> -> memref<576xf32, #tpu.memory_space<vmem>>
        %dma_wait3A_269 = arith.constant 999424 : i32
        %dma_wait3A_270 = tpu.memref_slice %arg6[%dma_wait3A_269] : memref<1000000xf32, #tpu.memory_space<vmem_shared>> -> memref<576xf32, #tpu.memory_space<vmem_shared>>
        %dma_wait3A_271 = arith.constant 999424 : i32
        %dma_wait3A_272 = tpu.memref_slice %arg6[%dma_wait3A_271] : memref<1000000xf32, #tpu.memory_space<vmem_shared>> -> memref<576xf32, #tpu.memory_space<vmem_shared>>
        %dma_wait3A_273 = arith.constant 0 : i32
        %dma_wait3A_274 = tpu.memref_slice %arg11[%dma_wait3A_273] : memref<15616xf32, #tpu.memory_space<vmem>> -> memref<576xf32, #tpu.memory_space<vmem>>
        tpu.wait_dma2 semaphore(%run_scoped3A : memref<!tpu.dma_semaphore, #tpu.memory_space<semaphore_mem>>) src(%dma_wait3A_274 : memref<576xf32, #tpu.memory_space<vmem>>) dst(%dma_wait3A_272 : memref<576xf32, #tpu.memory_space<vmem_shared>>)
        tpu.yield
      }) : () -> ()
    } else {
    }
    %barrier3A = arith.constant 0 : index
    tpu.barrier barrier_id(%barrier3A)
    %add3A_107 = arith.constant 0 : i32
    %add3A_108 = arith.addi %mul3A_2, %add3A_107 : i32
    %dma_wait3A_109 = tpu.memref_slice %arg4[%add3A_108] : memref<1638400xi32, #tpu.memory_space<hbm>> -> memref<6400xi32, #tpu.memory_space<hbm>>
    %dma_wait3A_110 = tpu.memref_slice %arg4[%add3A_108] : memref<1638400xi32, #tpu.memory_space<hbm>> -> memref<6400xi32, #tpu.memory_space<hbm>>
    tpu.wait_dma2 semaphore(%arg13 : memref<!tpu.dma_semaphore, #tpu.memory_space<semaphore_mem>>) src(%dma_wait3A_110 : memref<6400xi32, #tpu.memory_space<hbm>>) dst(%arg7 : memref<6400xi32, #tpu.memory_space<vmem>>)
    %dma_start3A_111 = arith.constant 0 : i32
    %dma_start3A_112 = tpu.memref_slice %arg6[%dma_start3A_111] : memref<1000000xf32, #tpu.memory_space<vmem_shared>> -> memref<1000000xf32, #tpu.memory_space<vmem_shared>>
    tpu.enqueue_indirect_dma source(%dma_start3A_112 : memref<1000000xf32, #tpu.memory_space<vmem_shared>>) target(%arg9 : memref<6400xf32, #tpu.memory_space<vmem>>) offsets(%arg7 : memref<6400xi32, #tpu.memory_space<vmem>>) semaphore(%arg15 : memref<!tpu.dma_semaphore, #tpu.memory_space<semaphore_mem>>)
    %add3A_113 = arith.constant 6400 : i32
    %add3A_114 = arith.addi %mul3A_2, %add3A_113 : i32
    %dma_wait3A_115 = tpu.memref_slice %arg4[%add3A_114] : memref<1638400xi32, #tpu.memory_space<hbm>> -> memref<6400xi32, #tpu.memory_space<hbm>>
    %dma_wait3A_116 = tpu.memref_slice %arg4[%add3A_114] : memref<1638400xi32, #tpu.memory_space<hbm>> -> memref<6400xi32, #tpu.memory_space<hbm>>
    tpu.wait_dma2 semaphore(%arg14 : memref<!tpu.dma_semaphore, #tpu.memory_space<semaphore_mem>>) src(%dma_wait3A_116 : memref<6400xi32, #tpu.memory_space<hbm>>) dst(%arg8 : memref<6400xi32, #tpu.memory_space<vmem>>)
    %dma_start3A_117 = arith.constant 0 : i32
    %dma_start3A_118 = tpu.memref_slice %arg6[%dma_start3A_117] : memref<1000000xf32, #tpu.memory_space<vmem_shared>> -> memref<1000000xf32, #tpu.memory_space<vmem_shared>>
    tpu.enqueue_indirect_dma source(%dma_start3A_118 : memref<1000000xf32, #tpu.memory_space<vmem_shared>>) target(%arg10 : memref<6400xf32, #tpu.memory_space<vmem>>) offsets(%arg8 : memref<6400xi32, #tpu.memory_space<vmem>>) semaphore(%arg16 : memref<!tpu.dma_semaphore, #tpu.memory_space<semaphore_mem>>)
    %dma_wait3A_119 = arith.constant 0 : i32
    %dma_wait3A_120 = tpu.memref_slice %arg6[%dma_wait3A_119] : memref<1000000xf32, #tpu.memory_space<vmem_shared>> -> memref<1000000xf32, #tpu.memory_space<vmem_shared>>
    tpu.wait_indirect_dma semaphore(%arg15 : memref<!tpu.dma_semaphore, #tpu.memory_space<semaphore_mem>>) src(%dma_wait3A_120 : memref<1000000xf32, #tpu.memory_space<vmem_shared>>) dst(%arg9 : memref<6400xf32, #tpu.memory_space<vmem>>)
    %add3A_121 = arith.constant 0 : i32
    %add3A_122 = arith.addi %mul3A_2, %add3A_121 : i32
    %dma_start3A_123 = tpu.memref_slice %arg5[%add3A_122] : memref<1638400xf32, #tpu.memory_space<hbm>> -> memref<6400xf32, #tpu.memory_space<hbm>>
    %dma_start3A_124 = tpu.memref_slice %arg5[%add3A_122] : memref<1638400xf32, #tpu.memory_space<hbm>> -> memref<6400xf32, #tpu.memory_space<hbm>>
    tpu.enqueue_dma source(%arg9 : memref<6400xf32, #tpu.memory_space<vmem>>) target(%dma_start3A_124 : memref<6400xf32, #tpu.memory_space<hbm>>) target_semaphore(%arg17 : memref<!tpu.dma_semaphore, #tpu.memory_space<semaphore_mem>>)
    %add3A_125 = arith.constant 12800 : i32
    %add3A_126 = arith.addi %mul3A_2, %add3A_125 : i32
    %dma_start3A_127 = tpu.memref_slice %arg4[%add3A_126] : memref<1638400xi32, #tpu.memory_space<hbm>> -> memref<6400xi32, #tpu.memory_space<hbm>>
    %dma_start3A_128 = tpu.memref_slice %arg4[%add3A_126] : memref<1638400xi32, #tpu.memory_space<hbm>> -> memref<6400xi32, #tpu.memory_space<hbm>>
    tpu.enqueue_dma source(%dma_start3A_128 : memref<6400xi32, #tpu.memory_space<hbm>>) target(%arg7 : memref<6400xi32, #tpu.memory_space<vmem>>) target_semaphore(%arg13 : memref<!tpu.dma_semaphore, #tpu.memory_space<semaphore_mem>>)
    %add3A_129 = arith.constant 0 : i32
    %add3A_130 = arith.addi %mul3A_2, %add3A_129 : i32
    %dma_wait3A_131 = tpu.memref_slice %arg5[%add3A_130] : memref<1638400xf32, #tpu.memory_space<hbm>> -> memref<6400xf32, #tpu.memory_space<hbm>>
    %dma_wait3A_132 = tpu.memref_slice %arg5[%add3A_130] : memref<1638400xf32, #tpu.memory_space<hbm>> -> memref<6400xf32, #tpu.memory_space<hbm>>
    tpu.wait_dma2 semaphore(%arg17 : memref<!tpu.dma_semaphore, #tpu.memory_space<semaphore_mem>>) src(%arg9 : memref<6400xf32, #tpu.memory_space<vmem>>) dst(%dma_wait3A_132 : memref<6400xf32, #tpu.memory_space<hbm>>)
    %add3A_133 = arith.constant 12800 : i32
    %add3A_134 = arith.addi %mul3A_2, %add3A_133 : i32
    %dma_wait3A_135 = tpu.memref_slice %arg4[%add3A_134] : memref<1638400xi32, #tpu.memory_space<hbm>> -> memref<6400xi32, #tpu.memory_space<hbm>>
    %dma_wait3A_136 = tpu.memref_slice %arg4[%add3A_134] : memref<1638400xi32, #tpu.memory_space<hbm>> -> memref<6400xi32, #tpu.memory_space<hbm>>
    tpu.wait_dma2 semaphore(%arg13 : memref<!tpu.dma_semaphore, #tpu.memory_space<semaphore_mem>>) src(%dma_wait3A_136 : memref<6400xi32, #tpu.memory_space<hbm>>) dst(%arg7 : memref<6400xi32, #tpu.memory_space<vmem>>)
    %dma_start3A_137 = arith.constant 0 : i32
    %dma_start3A_138 = tpu.memref_slice %arg6[%dma_start3A_137] : memref<1000000xf32, #tpu.memory_space<vmem_shared>> -> memref<1000000xf32, #tpu.memory_space<vmem_shared>>
    tpu.enqueue_indirect_dma source(%dma_start3A_138 : memref<1000000xf32, #tpu.memory_space<vmem_shared>>) target(%arg9 : memref<6400xf32, #tpu.memory_space<vmem>>) offsets(%arg7 : memref<6400xi32, #tpu.memory_space<vmem>>) semaphore(%arg15 : memref<!tpu.dma_semaphore, #tpu.memory_space<semaphore_mem>>)
    %dma_wait3A_139 = arith.constant 0 : i32
    %dma_wait3A_140 = tpu.memref_slice %arg6[%dma_wait3A_139] : memref<1000000xf32, #tpu.memory_space<vmem_shared>> -> memref<1000000xf32, #tpu.memory_space<vmem_shared>>
    tpu.wait_indirect_dma semaphore(%arg16 : memref<!tpu.dma_semaphore, #tpu.memory_space<semaphore_mem>>) src(%dma_wait3A_140 : memref<1000000xf32, #tpu.memory_space<vmem_shared>>) dst(%arg10 : memref<6400xf32, #tpu.memory_space<vmem>>)
    %add3A_141 = arith.constant 6400 : i32
    %add3A_142 = arith.addi %mul3A_2, %add3A_141 : i32
    %dma_start3A_143 = tpu.memref_slice %arg5[%add3A_142] : memref<1638400xf32, #tpu.memory_space<hbm>> -> memref<6400xf32, #tpu.memory_space<hbm>>
    %dma_start3A_144 = tpu.memref_slice %arg5[%add3A_142] : memref<1638400xf32, #tpu.memory_space<hbm>> -> memref<6400xf32, #tpu.memory_space<hbm>>
    tpu.enqueue_dma source(%arg10 : memref<6400xf32, #tpu.memory_space<vmem>>) target(%dma_start3A_144 : memref<6400xf32, #tpu.memory_space<hbm>>) target_semaphore(%arg18 : memref<!tpu.dma_semaphore, #tpu.memory_space<semaphore_mem>>)
    %add3A_145 = arith.constant 19200 : i32
    %add3A_146 = arith.addi %mul3A_2, %add3A_145 : i32
    %dma_start3A_147 = tpu.memref_slice %arg4[%add3A_146] : memref<1638400xi32, #tpu.memory_space<hbm>> -> memref<6400xi32, #tpu.memory_space<hbm>>
    %dma_start3A_148 = tpu.memref_slice %arg4[%add3A_146] : memref<1638400xi32, #tpu.memory_space<hbm>> -> memref<6400xi32, #tpu.memory_space<hbm>>
    tpu.enqueue_dma source(%dma_start3A_148 : memref<6400xi32, #tpu.memory_space<hbm>>) target(%arg8 : memref<6400xi32, #tpu.memory_space<vmem>>) target_semaphore(%arg14 : memref<!tpu.dma_semaphore, #tpu.memory_space<semaphore_mem>>)
    %add3A_149 = arith.constant 6400 : i32
    %add3A_150 = arith.addi %mul3A_2, %add3A_149 : i32
    %dma_wait3A_151 = tpu.memref_slice %arg5[%add3A_150] : memref<1638400xf32, #tpu.memory_space<hbm>> -> memref<6400xf32, #tpu.memory_space<hbm>>
    %dma_wait3A_152 = tpu.memref_slice %arg5[%add3A_150] : memref<1638400xf32, #tpu.memory_space<hbm>> -> memref<6400xf32, #tpu.memory_space<hbm>>
    tpu.wait_dma2 semaphore(%arg18 : memref<!tpu.dma_semaphore, #tpu.memory_space<semaphore_mem>>) src(%arg10 : memref<6400xf32, #tpu.memory_space<vmem>>) dst(%dma_wait3A_152 : memref<6400xf32, #tpu.memory_space<hbm>>)
    %add3A_153 = arith.constant 19200 : i32
    %add3A_154 = arith.addi %mul3A_2, %add3A_153 : i32
    %dma_wait3A_155 = tpu.memref_slice %arg4[%add3A_154] : memref<1638400xi32, #tpu.memory_space<hbm>> -> memref<6400xi32, #tpu.memory_space<hbm>>
    %dma_wait3A_156 = tpu.memref_slice %arg4[%add3A_154] : memref<1638400xi32, #tpu.memory_space<hbm>> -> memref<6400xi32, #tpu.memory_space<hbm>>
    tpu.wait_dma2 semaphore(%arg14 : memref<!tpu.dma_semaphore, #tpu.memory_space<semaphore_mem>>) src(%dma_wait3A_156 : memref<6400xi32, #tpu.memory_space<hbm>>) dst(%arg8 : memref<6400xi32, #tpu.memory_space<vmem>>)
    %dma_start3A_157 = arith.constant 0 : i32
    %dma_start3A_158 = tpu.memref_slice %arg6[%dma_start3A_157] : memref<1000000xf32, #tpu.memory_space<vmem_shared>> -> memref<1000000xf32, #tpu.memory_space<vmem_shared>>
    tpu.enqueue_indirect_dma source(%dma_start3A_158 : memref<1000000xf32, #tpu.memory_space<vmem_shared>>) target(%arg10 : memref<6400xf32, #tpu.memory_space<vmem>>) offsets(%arg8 : memref<6400xi32, #tpu.memory_space<vmem>>) semaphore(%arg16 : memref<!tpu.dma_semaphore, #tpu.memory_space<semaphore_mem>>)
    %dma_wait3A_159 = arith.constant 0 : i32
    %dma_wait3A_160 = tpu.memref_slice %arg6[%dma_wait3A_159] : memref<1000000xf32, #tpu.memory_space<vmem_shared>> -> memref<1000000xf32, #tpu.memory_space<vmem_shared>>
    tpu.wait_indirect_dma semaphore(%arg15 : memref<!tpu.dma_semaphore, #tpu.memory_space<semaphore_mem>>) src(%dma_wait3A_160 : memref<1000000xf32, #tpu.memory_space<vmem_shared>>) dst(%arg9 : memref<6400xf32, #tpu.memory_space<vmem>>)
    %add3A_161 = arith.constant 12800 : i32
    %add3A_162 = arith.addi %mul3A_2, %add3A_161 : i32
    %dma_start3A_163 = tpu.memref_slice %arg5[%add3A_162] : memref<1638400xf32, #tpu.memory_space<hbm>> -> memref<6400xf32, #tpu.memory_space<hbm>>
    %dma_start3A_164 = tpu.memref_slice %arg5[%add3A_162] : memref<1638400xf32, #tpu.memory_space<hbm>> -> memref<6400xf32, #tpu.memory_space<hbm>>
    tpu.enqueue_dma source(%arg9 : memref<6400xf32, #tpu.memory_space<vmem>>) target(%dma_start3A_164 : memref<6400xf32, #tpu.memory_space<hbm>>) target_semaphore(%arg17 : memref<!tpu.dma_semaphore, #tpu.memory_space<semaphore_mem>>)
    %add3A_165 = arith.constant 25600 : i32
    %add3A_166 = arith.addi %mul3A_2, %add3A_165 : i32
    %dma_start3A_167 = tpu.memref_slice %arg4[%add3A_166] : memref<1638400xi32, #tpu.memory_space<hbm>> -> memref<6400xi32, #tpu.memory_space<hbm>>
    %dma_start3A_168 = tpu.memref_slice %arg4[%add3A_166] : memref<1638400xi32, #tpu.memory_space<hbm>> -> memref<6400xi32, #tpu.memory_space<hbm>>
    tpu.enqueue_dma source(%dma_start3A_168 : memref<6400xi32, #tpu.memory_space<hbm>>) target(%arg7 : memref<6400xi32, #tpu.memory_space<vmem>>) target_semaphore(%arg13 : memref<!tpu.dma_semaphore, #tpu.memory_space<semaphore_mem>>)
    %add3A_169 = arith.constant 12800 : i32
    %add3A_170 = arith.addi %mul3A_2, %add3A_169 : i32
    %dma_wait3A_171 = tpu.memref_slice %arg5[%add3A_170] : memref<1638400xf32, #tpu.memory_space<hbm>> -> memref<6400xf32, #tpu.memory_space<hbm>>
    %dma_wait3A_172 = tpu.memref_slice %arg5[%add3A_170] : memref<1638400xf32, #tpu.memory_space<hbm>> -> memref<6400xf32, #tpu.memory_space<hbm>>
    tpu.wait_dma2 semaphore(%arg17 : memref<!tpu.dma_semaphore, #tpu.memory_space<semaphore_mem>>) src(%arg9 : memref<6400xf32, #tpu.memory_space<vmem>>) dst(%dma_wait3A_172 : memref<6400xf32, #tpu.memory_space<hbm>>)
    %add3A_173 = arith.constant 25600 : i32
    %add3A_174 = arith.addi %mul3A_2, %add3A_173 : i32
    %dma_wait3A_175 = tpu.memref_slice %arg4[%add3A_174] : memref<1638400xi32, #tpu.memory_space<hbm>> -> memref<6400xi32, #tpu.memory_space<hbm>>
    %dma_wait3A_176 = tpu.memref_slice %arg4[%add3A_174] : memref<1638400xi32, #tpu.memory_space<hbm>> -> memref<6400xi32, #tpu.memory_space<hbm>>
    tpu.wait_dma2 semaphore(%arg13 : memref<!tpu.dma_semaphore, #tpu.memory_space<semaphore_mem>>) src(%dma_wait3A_176 : memref<6400xi32, #tpu.memory_space<hbm>>) dst(%arg7 : memref<6400xi32, #tpu.memory_space<vmem>>)
    %dma_start3A_177 = arith.constant 0 : i32
    %dma_start3A_178 = tpu.memref_slice %arg6[%dma_start3A_177] : memref<1000000xf32, #tpu.memory_space<vmem_shared>> -> memref<1000000xf32, #tpu.memory_space<vmem_shared>>
    tpu.enqueue_indirect_dma source(%dma_start3A_178 : memref<1000000xf32, #tpu.memory_space<vmem_shared>>) target(%arg9 : memref<6400xf32, #tpu.memory_space<vmem>>) offsets(%arg7 : memref<6400xi32, #tpu.memory_space<vmem>>) semaphore(%arg15 : memref<!tpu.dma_semaphore, #tpu.memory_space<semaphore_mem>>)
    %dma_wait3A_179 = arith.constant 0 : i32
    %dma_wait3A_180 = tpu.memref_slice %arg6[%dma_wait3A_179] : memref<1000000xf32, #tpu.memory_space<vmem_shared>> -> memref<1000000xf32, #tpu.memory_space<vmem_shared>>
    tpu.wait_indirect_dma semaphore(%arg16 : memref<!tpu.dma_semaphore, #tpu.memory_space<semaphore_mem>>) src(%dma_wait3A_180 : memref<1000000xf32, #tpu.memory_space<vmem_shared>>) dst(%arg10 : memref<6400xf32, #tpu.memory_space<vmem>>)
    %add3A_181 = arith.constant 19200 : i32
    %add3A_182 = arith.addi %mul3A_2, %add3A_181 : i32
    %dma_start3A_183 = tpu.memref_slice %arg5[%add3A_182] : memref<1638400xf32, #tpu.memory_space<hbm>> -> memref<6400xf32, #tpu.memory_space<hbm>>
    %dma_start3A_184 = tpu.memref_slice %arg5[%add3A_182] : memref<1638400xf32, #tpu.memory_space<hbm>> -> memref<6400xf32, #tpu.memory_space<hbm>>
    tpu.enqueue_dma source(%arg10 : memref<6400xf32, #tpu.memory_space<vmem>>) target(%dma_start3A_184 : memref<6400xf32, #tpu.memory_space<hbm>>) target_semaphore(%arg18 : memref<!tpu.dma_semaphore, #tpu.memory_space<semaphore_mem>>)
    %add3A_185 = arith.constant 32000 : i32
    %add3A_186 = arith.addi %mul3A_2, %add3A_185 : i32
    %dma_start3A_187 = tpu.memref_slice %arg4[%add3A_186] : memref<1638400xi32, #tpu.memory_space<hbm>> -> memref<6400xi32, #tpu.memory_space<hbm>>
    %dma_start3A_188 = tpu.memref_slice %arg4[%add3A_186] : memref<1638400xi32, #tpu.memory_space<hbm>> -> memref<6400xi32, #tpu.memory_space<hbm>>
    tpu.enqueue_dma source(%dma_start3A_188 : memref<6400xi32, #tpu.memory_space<hbm>>) target(%arg8 : memref<6400xi32, #tpu.memory_space<vmem>>) target_semaphore(%arg14 : memref<!tpu.dma_semaphore, #tpu.memory_space<semaphore_mem>>)
    %add3A_189 = arith.constant 19200 : i32
    %add3A_190 = arith.addi %mul3A_2, %add3A_189 : i32
    %dma_wait3A_191 = tpu.memref_slice %arg5[%add3A_190] : memref<1638400xf32, #tpu.memory_space<hbm>> -> memref<6400xf32, #tpu.memory_space<hbm>>
    %dma_wait3A_192 = tpu.memref_slice %arg5[%add3A_190] : memref<1638400xf32, #tpu.memory_space<hbm>> -> memref<6400xf32, #tpu.memory_space<hbm>>
    tpu.wait_dma2 semaphore(%arg18 : memref<!tpu.dma_semaphore, #tpu.memory_space<semaphore_mem>>) src(%arg10 : memref<6400xf32, #tpu.memory_space<vmem>>) dst(%dma_wait3A_192 : memref<6400xf32, #tpu.memory_space<hbm>>)
    %add3A_193 = arith.constant 32000 : i32
    %add3A_194 = arith.addi %mul3A_2, %add3A_193 : i32
    %dma_wait3A_195 = tpu.memref_slice %arg4[%add3A_194] : memref<1638400xi32, #tpu.memory_space<hbm>> -> memref<6400xi32, #tpu.memory_space<hbm>>
    %dma_wait3A_196 = tpu.memref_slice %arg4[%add3A_194] : memref<1638400xi32, #tpu.memory_space<hbm>> -> memref<6400xi32, #tpu.memory_space<hbm>>
    tpu.wait_dma2 semaphore(%arg14 : memref<!tpu.dma_semaphore, #tpu.memory_space<semaphore_mem>>) src(%dma_wait3A_196 : memref<6400xi32, #tpu.memory_space<hbm>>) dst(%arg8 : memref<6400xi32, #tpu.memory_space<vmem>>)
    %dma_start3A_197 = arith.constant 0 : i32
    %dma_start3A_198 = tpu.memref_slice %arg6[%dma_start3A_197] : memref<1000000xf32, #tpu.memory_space<vmem_shared>> -> memref<1000000xf32, #tpu.memory_space<vmem_shared>>
    tpu.enqueue_indirect_dma source(%dma_start3A_198 : memref<1000000xf32, #tpu.memory_space<vmem_shared>>) target(%arg10 : memref<6400xf32, #tpu.memory_space<vmem>>) offsets(%arg8 : memref<6400xi32, #tpu.memory_space<vmem>>) semaphore(%arg16 : memref<!tpu.dma_semaphore, #tpu.memory_space<semaphore_mem>>)
    %dma_wait3A_199 = arith.constant 0 : i32
    %dma_wait3A_200 = tpu.memref_slice %arg6[%dma_wait3A_199] : memref<1000000xf32, #tpu.memory_space<vmem_shared>> -> memref<1000000xf32, #tpu.memory_space<vmem_shared>>
    tpu.wait_indirect_dma semaphore(%arg15 : memref<!tpu.dma_semaphore, #tpu.memory_space<semaphore_mem>>) src(%dma_wait3A_200 : memref<1000000xf32, #tpu.memory_space<vmem_shared>>) dst(%arg9 : memref<6400xf32, #tpu.memory_space<vmem>>)
    %add3A_201 = arith.constant 25600 : i32
    %add3A_202 = arith.addi %mul3A_2, %add3A_201 : i32
    %dma_start3A_203 = tpu.memref_slice %arg5[%add3A_202] : memref<1638400xf32, #tpu.memory_space<hbm>> -> memref<6400xf32, #tpu.memory_space<hbm>>
    %dma_start3A_204 = tpu.memref_slice %arg5[%add3A_202] : memref<1638400xf32, #tpu.memory_space<hbm>> -> memref<6400xf32, #tpu.memory_space<hbm>>
    tpu.enqueue_dma source(%arg9 : memref<6400xf32, #tpu.memory_space<vmem>>) target(%dma_start3A_204 : memref<6400xf32, #tpu.memory_space<hbm>>) target_semaphore(%arg17 : memref<!tpu.dma_semaphore, #tpu.memory_space<semaphore_mem>>)
    %add3A_205 = arith.constant 38400 : i32
    %add3A_206 = arith.addi %mul3A_2, %add3A_205 : i32
    %dma_start3A_207 = tpu.memref_slice %arg4[%add3A_206] : memref<1638400xi32, #tpu.memory_space<hbm>> -> memref<6400xi32, #tpu.memory_space<hbm>>
    %dma_start3A_208 = tpu.memref_slice %arg4[%add3A_206] : memref<1638400xi32, #tpu.memory_space<hbm>> -> memref<6400xi32, #tpu.memory_space<hbm>>
    tpu.enqueue_dma source(%dma_start3A_208 : memref<6400xi32, #tpu.memory_space<hbm>>) target(%arg7 : memref<6400xi32, #tpu.memory_space<vmem>>) target_semaphore(%arg13 : memref<!tpu.dma_semaphore, #tpu.memory_space<semaphore_mem>>)
    %add3A_209 = arith.constant 25600 : i32
    %add3A_210 = arith.addi %mul3A_2, %add3A_209 : i32
    %dma_wait3A_211 = tpu.memref_slice %arg5[%add3A_210] : memref<1638400xf32, #tpu.memory_space<hbm>> -> memref<6400xf32, #tpu.memory_space<hbm>>
    %dma_wait3A_212 = tpu.memref_slice %arg5[%add3A_210] : memref<1638400xf32, #tpu.memory_space<hbm>> -> memref<6400xf32, #tpu.memory_space<hbm>>
    tpu.wait_dma2 semaphore(%arg17 : memref<!tpu.dma_semaphore, #tpu.memory_space<semaphore_mem>>) src(%arg9 : memref<6400xf32, #tpu.memory_space<vmem>>) dst(%dma_wait3A_212 : memref<6400xf32, #tpu.memory_space<hbm>>)
    %add3A_213 = arith.constant 38400 : i32
    %add3A_214 = arith.addi %mul3A_2, %add3A_213 : i32
    %dma_wait3A_215 = tpu.memref_slice %arg4[%add3A_214] : memref<1638400xi32, #tpu.memory_space<hbm>> -> memref<6400xi32, #tpu.memory_space<hbm>>
    %dma_wait3A_216 = tpu.memref_slice %arg4[%add3A_214] : memref<1638400xi32, #tpu.memory_space<hbm>> -> memref<6400xi32, #tpu.memory_space<hbm>>
    tpu.wait_dma2 semaphore(%arg13 : memref<!tpu.dma_semaphore, #tpu.memory_space<semaphore_mem>>) src(%dma_wait3A_216 : memref<6400xi32, #tpu.memory_space<hbm>>) dst(%arg7 : memref<6400xi32, #tpu.memory_space<vmem>>)
    %dma_start3A_217 = arith.constant 0 : i32
    %dma_start3A_218 = tpu.memref_slice %arg6[%dma_start3A_217] : memref<1000000xf32, #tpu.memory_space<vmem_shared>> -> memref<1000000xf32, #tpu.memory_space<vmem_shared>>
    tpu.enqueue_indirect_dma source(%dma_start3A_218 : memref<1000000xf32, #tpu.memory_space<vmem_shared>>) target(%arg9 : memref<6400xf32, #tpu.memory_space<vmem>>) offsets(%arg7 : memref<6400xi32, #tpu.memory_space<vmem>>) semaphore(%arg15 : memref<!tpu.dma_semaphore, #tpu.memory_space<semaphore_mem>>)
    %dma_wait3A_219 = arith.constant 0 : i32
    %dma_wait3A_220 = tpu.memref_slice %arg6[%dma_wait3A_219] : memref<1000000xf32, #tpu.memory_space<vmem_shared>> -> memref<1000000xf32, #tpu.memory_space<vmem_shared>>
    tpu.wait_indirect_dma semaphore(%arg16 : memref<!tpu.dma_semaphore, #tpu.memory_space<semaphore_mem>>) src(%dma_wait3A_220 : memref<1000000xf32, #tpu.memory_space<vmem_shared>>) dst(%arg10 : memref<6400xf32, #tpu.memory_space<vmem>>)
    %add3A_221 = arith.constant 32000 : i32
    %add3A_222 = arith.addi %mul3A_2, %add3A_221 : i32
    %dma_start3A_223 = tpu.memref_slice %arg5[%add3A_222] : memref<1638400xf32, #tpu.memory_space<hbm>> -> memref<6400xf32, #tpu.memory_space<hbm>>
    %dma_start3A_224 = tpu.memref_slice %arg5[%add3A_222] : memref<1638400xf32, #tpu.memory_space<hbm>> -> memref<6400xf32, #tpu.memory_space<hbm>>
    tpu.enqueue_dma source(%arg10 : memref<6400xf32, #tpu.memory_space<vmem>>) target(%dma_start3A_224 : memref<6400xf32, #tpu.memory_space<hbm>>) target_semaphore(%arg18 : memref<!tpu.dma_semaphore, #tpu.memory_space<semaphore_mem>>)
    %add3A_225 = arith.constant 44800 : i32
    %add3A_226 = arith.addi %mul3A_2, %add3A_225 : i32
    %dma_start3A_227 = tpu.memref_slice %arg4[%add3A_226] : memref<1638400xi32, #tpu.memory_space<hbm>> -> memref<6400xi32, #tpu.memory_space<hbm>>
    %dma_start3A_228 = tpu.memref_slice %arg4[%add3A_226] : memref<1638400xi32, #tpu.memory_space<hbm>> -> memref<6400xi32, #tpu.memory_space<hbm>>
    tpu.enqueue_dma source(%dma_start3A_228 : memref<6400xi32, #tpu.memory_space<hbm>>) target(%arg8 : memref<6400xi32, #tpu.memory_space<vmem>>) target_semaphore(%arg14 : memref<!tpu.dma_semaphore, #tpu.memory_space<semaphore_mem>>)
    %add3A_229 = arith.constant 32000 : i32
    %add3A_230 = arith.addi %mul3A_2, %add3A_229 : i32
    %dma_wait3A_231 = tpu.memref_slice %arg5[%add3A_230] : memref<1638400xf32, #tpu.memory_space<hbm>> -> memref<6400xf32, #tpu.memory_space<hbm>>
    %dma_wait3A_232 = tpu.memref_slice %arg5[%add3A_230] : memref<1638400xf32, #tpu.memory_space<hbm>> -> memref<6400xf32, #tpu.memory_space<hbm>>
    tpu.wait_dma2 semaphore(%arg18 : memref<!tpu.dma_semaphore, #tpu.memory_space<semaphore_mem>>) src(%arg10 : memref<6400xf32, #tpu.memory_space<vmem>>) dst(%dma_wait3A_232 : memref<6400xf32, #tpu.memory_space<hbm>>)
    %add3A_233 = arith.constant 44800 : i32
    %add3A_234 = arith.addi %mul3A_2, %add3A_233 : i32
    %dma_wait3A_235 = tpu.memref_slice %arg4[%add3A_234] : memref<1638400xi32, #tpu.memory_space<hbm>> -> memref<6400xi32, #tpu.memory_space<hbm>>
    %dma_wait3A_236 = tpu.memref_slice %arg4[%add3A_234] : memref<1638400xi32, #tpu.memory_space<hbm>> -> memref<6400xi32, #tpu.memory_space<hbm>>
    tpu.wait_dma2 semaphore(%arg14 : memref<!tpu.dma_semaphore, #tpu.memory_space<semaphore_mem>>) src(%dma_wait3A_236 : memref<6400xi32, #tpu.memory_space<hbm>>) dst(%arg8 : memref<6400xi32, #tpu.memory_space<vmem>>)
    %dma_start3A_237 = arith.constant 0 : i32
    %dma_start3A_238 = tpu.memref_slice %arg6[%dma_start3A_237] : memref<1000000xf32, #tpu.memory_space<vmem_shared>> -> memref<1000000xf32, #tpu.memory_space<vmem_shared>>
    tpu.enqueue_indirect_dma source(%dma_start3A_238 : memref<1000000xf32, #tpu.memory_space<vmem_shared>>) target(%arg10 : memref<6400xf32, #tpu.memory_space<vmem>>) offsets(%arg8 : memref<6400xi32, #tpu.memory_space<vmem>>) semaphore(%arg16 : memref<!tpu.dma_semaphore, #tpu.memory_space<semaphore_mem>>)
    %dma_wait3A_239 = arith.constant 0 : i32
    %dma_wait3A_240 = tpu.memref_slice %arg6[%dma_wait3A_239] : memref<1000000xf32, #tpu.memory_space<vmem_shared>> -> memref<1000000xf32, #tpu.memory_space<vmem_shared>>
    tpu.wait_indirect_dma semaphore(%arg15 : memref<!tpu.dma_semaphore, #tpu.memory_space<semaphore_mem>>) src(%dma_wait3A_240 : memref<1000000xf32, #tpu.memory_space<vmem_shared>>) dst(%arg9 : memref<6400xf32, #tpu.memory_space<vmem>>)
    %add3A_241 = arith.constant 38400 : i32
    %add3A_242 = arith.addi %mul3A_2, %add3A_241 : i32
    %dma_start3A_243 = tpu.memref_slice %arg5[%add3A_242] : memref<1638400xf32, #tpu.memory_space<hbm>> -> memref<6400xf32, #tpu.memory_space<hbm>>
    %dma_start3A_244 = tpu.memref_slice %arg5[%add3A_242] : memref<1638400xf32, #tpu.memory_space<hbm>> -> memref<6400xf32, #tpu.memory_space<hbm>>
    tpu.enqueue_dma source(%arg9 : memref<6400xf32, #tpu.memory_space<vmem>>) target(%dma_start3A_244 : memref<6400xf32, #tpu.memory_space<hbm>>) target_semaphore(%arg17 : memref<!tpu.dma_semaphore, #tpu.memory_space<semaphore_mem>>)
    %dma_wait3A_245 = arith.constant 0 : i32
    %dma_wait3A_246 = tpu.memref_slice %arg6[%dma_wait3A_245] : memref<1000000xf32, #tpu.memory_space<vmem_shared>> -> memref<1000000xf32, #tpu.memory_space<vmem_shared>>
    tpu.wait_indirect_dma semaphore(%arg16 : memref<!tpu.dma_semaphore, #tpu.memory_space<semaphore_mem>>) src(%dma_wait3A_246 : memref<1000000xf32, #tpu.memory_space<vmem_shared>>) dst(%arg10 : memref<6400xf32, #tpu.memory_space<vmem>>)
    %add3A_247 = arith.constant 44800 : i32
    %add3A_248 = arith.addi %mul3A_2, %add3A_247 : i32
    %dma_start3A_249 = tpu.memref_slice %arg5[%add3A_248] : memref<1638400xf32, #tpu.memory_space<hbm>> -> memref<6400xf32, #tpu.memory_space<hbm>>
    %dma_start3A_250 = tpu.memref_slice %arg5[%add3A_248] : memref<1638400xf32, #tpu.memory_space<hbm>> -> memref<6400xf32, #tpu.memory_space<hbm>>
    tpu.enqueue_dma source(%arg10 : memref<6400xf32, #tpu.memory_space<vmem>>) target(%dma_start3A_250 : memref<6400xf32, #tpu.memory_space<hbm>>) target_semaphore(%arg18 : memref<!tpu.dma_semaphore, #tpu.memory_space<semaphore_mem>>)
    %add3A_251 = arith.constant 38400 : i32
    %add3A_252 = arith.addi %mul3A_2, %add3A_251 : i32
    %dma_wait3A_253 = tpu.memref_slice %arg5[%add3A_252] : memref<1638400xf32, #tpu.memory_space<hbm>> -> memref<6400xf32, #tpu.memory_space<hbm>>
    %dma_wait3A_254 = tpu.memref_slice %arg5[%add3A_252] : memref<1638400xf32, #tpu.memory_space<hbm>> -> memref<6400xf32, #tpu.memory_space<hbm>>
    tpu.wait_dma2 semaphore(%arg17 : memref<!tpu.dma_semaphore, #tpu.memory_space<semaphore_mem>>) src(%arg9 : memref<6400xf32, #tpu.memory_space<vmem>>) dst(%dma_wait3A_254 : memref<6400xf32, #tpu.memory_space<hbm>>)
    %add3A_255 = arith.constant 44800 : i32
    %add3A_256 = arith.addi %mul3A_2, %add3A_255 : i32
    %dma_wait3A_257 = tpu.memref_slice %arg5[%add3A_256] : memref<1638400xf32, #tpu.memory_space<hbm>> -> memref<6400xf32, #tpu.memory_space<hbm>>
    %dma_wait3A_258 = tpu.memref_slice %arg5[%add3A_256] : memref<1638400xf32, #tpu.memory_space<hbm>> -> memref<6400xf32, #tpu.memory_space<hbm>>
    tpu.wait_dma2 semaphore(%arg18 : memref<!tpu.dma_semaphore, #tpu.memory_space<semaphore_mem>>) src(%arg10 : memref<6400xf32, #tpu.memory_space<vmem>>) dst(%dma_wait3A_258 : memref<6400xf32, #tpu.memory_space<hbm>>)
    return
  }
}

</mosaic_0001>

<sc_bundles>
// kernel: kernel.3.cloned.1.call-start
scs
__scs_entry_jumppad:
0x0: {  	(pc) =	sbr.rel $0x88, $3  }
0x1: {  	(tag) =	ssettag $0x0;
	lr =	simm.s32 $0x1  }
0x2: {  	[smem:$0x3F9F] =	sst lr;
	_ =	strace $0xD0000000  }
0x3: {  	_ = 	snop  }
0x4: {  	_ = 	snop  }
0x5: {  	_ = 	snop  }
0x6: {  	_ = 	snop  }
0x7: {  	_ = 	snop  }
__scs_overlays_trampoline_lowered:
0x8: {  	[smem:$0x3FAE] =	sst s0  }
0x9: {  	[smem:$0x3FAF] =	sst s1  }
0xa: {  	[smem:$0x3FB0] =	sst s2  }
0xb: {  	[smem:$0x3FB1] =	sst s3  }
0xc: {  	[smem:$0x3FB2] =	sst s4  }
0xd: {  	[smem:$0x3FB3] =	sst s5  }
0xe: {  	[smem:$0x3FB4] =	sst s6  }
0xf: {  	[smem:$0x3FB5] =	sst s7  }
0x10: {  	[smem:$0x3FB6] =	sst s8  }
0x11: {  	[smem:$0x3FB7] =	sst s9;
	s0 =	simm.s32 @!p0 $0x0  }
0x12: {  	s1 =	sld [smem:$0x3F9D];
	s0 =	simm.s32 @p0 $0x1  }
0x13: {  	[smem:$0x3FB8] =	sst s0;
	s0 =	simm.s32 @!p1 $0x0  }
0x14: {  	s2 =	sld [smem:$0x3F9C];
	s0 =	simm.s32 @p1 $0x1  }
0x15: {  	[smem:$0x3FB9] =	sst s0;
	s0 =	simm.s32 @!p2 $0x0  }
0x16: {  	s3 =	sld [smem:$0x3FDB];
	s0 =	simm.s32 @p2 $0x1  }
0x17: {  	s4 =	simm.s32 $0x1BF5;
	[smem:$0x3FBB] =	sst s0  }
0x18: {  	s0 =	sld [smem:$0x3F9E];
	_ =	swait.ge [sflag:s4], $0x0  }
0x19: {  	s7 =	sld [smem:$0x3F9F]  }
0x1a: {  	s8 =	sadd.s32 $0xFFFFE003, lr  }
0x1b: {  	s9 =	sadd.s32 $0xFFFFFEF7, lr;
	s5 =	simm.s32 $0xFFFFFFFF;
	p2 =	slt.u32 s8, $0xFFFFF086  }
0x1c: {  	p1 =	slt.u32 s9, $0xF7A;
	s5 =	simm.s32 @!p2 $0x0  }
0x1d: {  	s5 =	simm.s32 @p1 $0x1;
	p0 =	seq.s32 s7, s2  }
0x1e: {  	s7 =	smul.u32 @!p0 $0xF7A, s2;
	p2 =	seq.s32 @!p0 s5, $0x0  }
0x1f: {  	s9 =	smul.u32 $0xF7A, s1;
	s8 =	simm.s32 @!p0 $0x1BF5;
	p2 =	por !p2, p0  }
0x20: {  	[sflag:s8] =	ssyncset.s32 @!p0 $0xFFFFF086;
	s6 =	sadd.s32 @!p0 s3, s7;
	s7 =	simm.s32 @!p0 $0x108  }
0x21: {  	s3 =	sadd.s32 s3, s9;
	s6 =	sadd.s32 @!p0 $0x88, s6;
	s7 =	simm.s32 @p2 $0x1082  }
0x22: {  	[simem:s7], [sflag:s8] =	dma.local @!p0 [hbm:s6], $0xF7A  }
0x23: {  	s9 =	sor.u32 $0xD0000000, s2;
	s6 =	simm.s32 $0x108;
	_ =	swait.ge @!p0 [sflag:s8], $0x0  }
0x24: {  	s3 =	sadd.s32 $0x88, s3;
	s6 =	simm.s32 @!p1 $0x1082;
	[sflag:s4] =	ssyncset.s32 $0xFFFFF086  }
0x25: {  	[simem:s6], [sflag:s4] =	dma.local [hbm:s3], $0xF7A  }
0x26: {  	[smem:$0x3F9F] =	sst s1;
	(tag) =	ssettag s2;
	_ =	strace s9  }
0x27: {  	s1 =	sld [smem:$0x3FAF]  }
0x28: {  	s2 =	sld [smem:$0x3FB0]  }
0x29: {  	s4 =	sld [smem:$0x3FB2]  }
0x2a: {  	p0 =	seq.s32 s5, $0x0;
	s5 =	sld [smem:$0x3FB3]  }
0x2b: {  	s6 =	sld [smem:$0x3FB4]  }
0x2c: {  	s7 =	sld [smem:$0x3FB5]  }
0x2d: {  	s3 =	simm.s32 $0x108;
	s8 =	sld [smem:$0x3FB6]  }
0x2e: {  	s3 =	simm.s32 @!p0 $0x1082;
	s9 =	sld [smem:$0x3FB7]  }
0x2f: {  	lr =	sadd.s32 s0, s3;
	s0 =	sld [smem:$0x3FAE]  }
0x30: {  	s3 =	sld [smem:$0x3FB1]  }
0x31: {  	[smem:$0x3FBA] =	sst s10  }
0x32: {  	s10 =	sld [smem:$0x3FB8];
	_ =	sdelay $0x3  }
0x33: {  	p0 =	seq.s32 s10, $0x1;
	s10 =	sld [smem:$0x3FBA];
	_ =	sdelay $0x3  }
0x34: {  	[smem:$0x3FBA] =	sst s10  }
0x35: {  	s10 =	sld [smem:$0x3FB9];
	_ =	sdelay $0x3  }
0x36: {  	p1 =	seq.s32 s10, $0x1;
	s10 =	sld [smem:$0x3FBA];
	_ =	sdelay $0x3  }
0x37: {  	[smem:$0x3FBA] =	sst s10  }
0x38: {  	s10 =	sld [smem:$0x3FBB]  }
0x39: {  	_ = 	snop;
	(pc) =	sbr.ind lr, $3  }
0x3a: {  	_ = 	snop  }
0x3b: {  	_ = 	snop  }
0x3c: {  	p2 =	seq.s32 s10, $0x1;
	s10 =	sld [smem:$0x3FBA]  }
0x3d: {  	_ =	shalt  }
0x3e: {  	_ =	shalt  }
0x3f: {  	_ =	shalt  }
0x40: {  	_ =	shalt  }
0x41: {  	_ =	shalt  }
0x42: {  	_ =	shalt  }
0x43: {  	_ =	shalt  }
0x44: {  	_ =	shalt  }
0x45: {  	_ =	shalt  }
0x46: {  	_ =	shalt  }
0x47: {  	_ =	shalt  }
0x48: {  	_ =	shalt  }
0x49: {  	_ =	shalt  }
0x4a: {  	_ =	shalt  }
0x4b: {  	_ =	shalt  }
0x4c: {  	_ =	shalt  }
0x4d: {  	_ =	shalt  }
0x4e: {  	_ =	shalt  }
0x4f: {  	_ =	shalt  }
0x50: {  	_ =	shalt  }
0x51: {  	_ =	shalt  }
0x52: {  	_ =	shalt  }
0x53: {  	_ =	shalt  }
0x54: {  	_ =	shalt  }
0x55: {  	_ =	shalt  }
0x56: {  	_ =	shalt  }
0x57: {  	_ =	shalt  }
0x58: {  	_ =	shalt  }
0x59: {  	_ =	shalt  }
0x5a: {  	_ =	shalt  }
0x5b: {  	_ =	shalt  }
0x5c: {  	_ =	shalt  }
0x5d: {  	_ =	shalt  }
0x5e: {  	_ =	shalt  }
0x5f: {  	_ =	shalt  }
0x60: {  	_ =	shalt  }
0x61: {  	_ =	shalt  }
0x62: {  	_ =	shalt  }
0x63: {  	_ =	shalt  }
0x64: {  	_ =	shalt  }
0x65: {  	_ =	shalt  }
0x66: {  	_ =	shalt  }
0x67: {  	_ =	shalt  }
0x68: {  	_ =	shalt  }
0x69: {  	_ =	shalt  }
0x6a: {  	_ =	shalt  }
0x6b: {  	_ =	shalt  }
0x6c: {  	_ =	shalt  }
0x6d: {  	_ =	shalt  }
0x6e: {  	_ =	shalt  }
0x6f: {  	_ =	shalt  }
0x70: {  	_ =	shalt  }
0x71: {  	_ =	shalt  }
0x72: {  	_ =	shalt  }
0x73: {  	_ =	shalt  }
0x74: {  	_ =	shalt  }
0x75: {  	_ =	shalt  }
0x76: {  	_ =	shalt  }
0x77: {  	_ =	shalt  }
0x78: {  	_ =	shalt  }
0x79: {  	_ =	shalt  }
0x7a: {  	_ =	shalt  }
0x7b: {  	_ =	shalt  }
0x7c: {  	_ =	shalt  }
0x7d: {  	_ =	shalt  }
0x7e: {  	_ =	shalt  }
0x7f: {  	_ =	shalt  }
0x80: {  	_ =	shalt  }
0x81: {  	_ =	shalt  }
0x82: {  	_ =	shalt  }
0x83: {  	_ =	shalt  }
0x84: {  	_ =	shalt  }
0x85: {  	_ =	shalt  }
0x86: {  	_ =	shalt  }
0x87: {  	_ =	shalt  }
.Lfunc_end0:
.L_simem_size_0:
called_computation_lowered:
.L_overlay_start_0:
0x88: {  	s2 =	sld [smem:$0x3FD9]  }
0x89: {  	s3 =	sld [smem:$0x3FFE];
	_ =	sdelay $0x1  }
0x8a: {  	s1 =	srdreg.scid  }
0x8b: {  	s0 =	sand.u32 $0x1, s1  }
0x8c: {  	s17 =	sshll.u32 s0, $0xA;
	s2 =	sadd.s32 s3, s2  }
0x8d: {  	s2 =	sadd.s32 s2, s17  }
0x8e: {  	[smem:$0x3FC6] =	sst s2  }
0x8f: {  	_ = 	snop  }
0x90: {  	s2 =	sld [smem:$0x3FD0];
	(tm) =	ssettm $0x1  }
0x91: {  	s18 =	sld [smem:$0x3FFB];
	_ =	sdelay $0x3  }
0x92: {  	_ =	strace s18  }
0x93: {  	s3 =	sld [smem:$0x3FFC];
	_ =	sdelay $0x3  }
0x94: {  	_ =	strace s3  }
0x95: {  	s3 =	sld [smem:$0x3FFD];
	_ =	sdelay $0x3  }
0x96: {  	_ =	strace s3  }
0x97: {  	_ =	strace $0x8FFFFFFF  }
0x98: {  	s19 =	sld [smem:$0x3FDB];
	_ =	sdelay $0x1  }
0x99: {  	s4 =	simm.s32 $_scs_section_size  }
0x9a: {  	s5 =	simm.s32 $_size__tile_overlayer_lowered;
	s6 =	simm.s32 $_tile_overlayer_lowered  }
0x9b: {  	s22 =	simm.s32 $0x1BFF;
	s21 =	sshll.u32 s6, $0x1;
	s3 =	sadd.s32 s4, s19  }
0x9c: {  	s7 =	simm.s32 $0x0;
	s20 =	sshll.u32 s5, $0x1;
	s5 =	sadd.s32 s21, s3  }
0x9d: {  	[timem:s7], [sflag:s22] =	dma.local [hbm:s5], s20  }
0x9e: {  	_ =	swait.ge [sflag:s22], s20  }
0x9f: {  	s4 =	ssub.s32 $0x0, s20;
	[sflag:s22] =	ssyncset.done $0x0  }
0xa0: {  	[sflag:s22] =	ssyncadd.s32 s4;
	_ =	sdelay $0x1  }
0xa1: {  	s23 =	simm.s32 $0x1B8B  }
0xa2: {  	_ =	swait.ge [sflag:s23], $0x1  }
0xa3: {  	[sflag:s23] =	ssyncset.done $0x0  }
0xa4: {  	s25 =	simm.s32 $0x1B8E;
	s24 =	sld [smem:$0x3FFE];
	[sflag:s23] =	ssyncadd.s32 $0xFFFFFFFF  }
0xa5: {  	s26 =	simm.s32 $execute0_lowered;
	[smem:$0x3FD2] =	sst s25  }
0xa6: {  	s5 =	sshll.u32 s26, $0x1;
	_ =	strace $0x80000046;
	[dreg:$0x1] =	wrdreg $0xFFFFFFFF  }
0xa7: {  	s28 =	simm.s32 $_size_execute0_lowered;
	s3 =	sadd.s32 s3, s5;
	[dreg:$0x0] =	wrdreg $0x0  }
0xa8: {  	s5 =	sshll.u32 s28, $0x1;
	[dreg:$0x2] =	wrdreg s3  }
0xa9: {  	[dreg:$0x3] =	wrdreg s5  }
0xaa: {  	[dreg:$0x4] =	wrdreg $0xC0  }
0xab: {  	_ =	task [dreg:s7], $0x5FFFF  }
0xac: {  	[dreg:$0x1] =	wrdreg $0xFFFFFFFF  }
0xad: {  	[dreg:$0x0] =	wrdreg $0x60  }
0xae: {  	[dreg:$0x2] =	wrdreg s24  }
0xaf: {  	[dreg:$0x3] =	wrdreg s2  }
0xb0: {  	[dreg:$0x4] =	wrdreg $0x0  }
0xb1: {  	[dreg:$0x5] =	wrdreg $0x9  }
0xb2: {  	_ =	task.clear_ibuf [dreg:s7], $0x6FFFF;
	_ =	strace $0x90000046  }
0xb3: {  	s29 =	simm.s32 $0x9;
	_ =	strace $0x80000048  }
0xb4: {  	_ =	swait.ge [sflag:s29], $0x1  }
0xb5: {  	[sflag:s29] =	ssyncadd.s32 $0xFFFFFFFF  }
0xb6: {  	_ =	strace $0x90000048  }
0xb7: {  	_ =	sfence  }
0xb8: {  	s30 =	sld [smem:$0x0];
	_ =	sdelay $0x2  }
0xb9: {  	s31 =	sshll.u32 s1, $0xD;
	s1 =	sshrl.u32 s1, $0x2  }
0xba: {  	s3 =	sand.u32 $0x4000, s31;
	s1 =	sadd.s32 s1, s30  }
0xbb: {  	s0 =	sor.u32 s3, s0;
	s1 =	sshll.u32 s1, $0x11  }
0xbc: {  	s0 =	sor.u32 s1, s0  }
0xbd: {  	s0 =	sadd.s32 $0x8F2B, s0  }
0xbe: {  	[sflag:s0] =	ssyncadd.remote.s32 $0x1  }
0xbf: {  	_ =	sfence.sel $0xFFFF  }
0xc0: {  	[dreg:$0x0] =	wrdreg $0xFFFFFFFF;
	(pc) =	sbr.abs _section_cstart, $3  }
0xc1: {  	[dreg:$0x1] =	wrdreg $0xFFFFFFFF  }
0xc2: {  	_ =	task.clear_ibuf [dreg:s7], $0x2FFFF;
	_ =	strace $0x9FFFFFFF  }
0xc3: {  	(tm) =	ssettm $0x7FFFFFFF  }
tec
execute0_lowered:
.L_overlay_start_1:
0x0: {  	(tag) =	ssettag $0x1  }
0x1: {  	s0 =	rddreg [dreg:$0x0]  }
0x2: {  	s3 =	rddreg [dreg:$0x1];
	s1 =	srdreg.scid  }
0x3: {  	s5 =	stileid.u32;
	s2 =	rddreg [dreg:$0x2]  }
0x4: {  	s29 =	rddreg [dreg:$0x3];
	p1 =	por $0x0, $0x0;
	s4 =	sand.u32 $0x1, s1  }
0x5: {  	s6 =	sshll.u32 s5, $0x1;
	s1 =	simm.s32 $0x0;
	s7 =	sadd.s32 $0x400, s0  }
0x6: {  	s8 =	sadd.s32 $0x200, s0;
	s9 =	smul.u32 $0x3D00, s5;
	s0 =	sadd.s32 $0x1EC00, s0  }
0x7: {  	s15 =	sadd.s32 $0xF4000, s2;
	p0 =	sne.s32 s5, $0x0;
	s5 =	simm.s32 $0x6  }
0x8: {  	s6 =	sor.u32 s4, s6;
	[smem:$0x7FF] =	sst s1;
	s4 =	ssub.s32 $0x2, s4  }
0x9: {  	s6 =	smul.u32 $0xC800, s6;
	_ =	strace $0x80000047;
	[dreg:$0x4] =	wrdreg s8  }
0xa: {  	s11 =	sshrl.u32 s9, $0x3;
	s23 =	sadd.s32 $0x3D000, s9;
	s24 =	sadd.s32 s9, s2  }
0xb: {  	s26 =	sadd.s32 $0x7A000, s9;
	s9 =	sadd.s32 $0xB7000, s9;
	[dreg:$0xf] =	wrdreg s15  }
0xc: {  	s18 =	sshrl.u32 s4, $0x1;
	s8 =	simm.s32 $0x3;
	s22 =	sadd.s32 s7, s11  }
0xd: {  	s12 =	sshrl.u32 s23, $0x3;
	[dreg:$0x8] =	wrdreg s24;
	s30 =	sadd.s32 s23, s2  }
0xe: {  	s31 =	sshrl.u32 s26, $0x3;
	s13 =	sshrl.u32 s9, $0x3;
	s14 =	sadd.s32 s9, s2  }
0xf: {  	s9 =	ssub.s32 s4, s18;
	s18 =	simm.s32 $0x2;
	[dreg:$0x7] =	wrdreg s22  }
0x10: {  	s6 =	sshrl.u32 s6, $0x3;
	s25 =	sadd.s32 s7, s12;
	[dreg:$0xa] =	wrdreg s30  }
0x11: {  	s11 =	sadd.s32 s7, s31;
	s12 =	sadd.s32 s26, s2;
	[dreg:$0xe] =	wrdreg s14  }
0x12: {  	s7 =	sadd.s32 s7, s13;
	s31 =	smax.u32 s9, $0x1;
	[dreg:$0x9] =	wrdreg s25  }
0x13: {  	s9 =	simm.s32 $0x10D28;
	s14 =	simm.s32 $0x1900;
	[dreg:$0xb] =	wrdreg s11  }
0x14: {  	s13 =	simm.s32 $0x13F28;
	s20 =	sadd.s32 s3, s6;
	[dreg:$0xc] =	wrdreg s12  }
0x15: {  	s10 =	sadd.s32 $0x320, s6;
	[dreg:$0xd] =	wrdreg s7;
	s16 =	sadd.s32 s0, s6  }
0x16: {  	s17 =	sadd.s32 $0x640, s6;
	s25 =	sadd.s32 $0xC80, s6;
	s26 =	sadd.s32 $0xFA0, s6  }
0x17: {  	s30 =	sadd.s32 $0x12C0, s6;
	s7 =	simm.s32 $0x4;
	s28 =	sadd.s32 $0xFFFFFFFF, s31  }
0x18: {  	s12 =	simm.s32 $0x12628;
	[dreg:$0x5] =	wrdreg s20;
	s21 =	sadd.s32 s3, s10  }
0x19: {  	[dreg:$0x10] =	wrdreg s16;
	s19 =	sadd.s32 s3, s17;
	s20 =	sadd.s32 s0, s10  }
0x1a: {  	s22 =	sadd.s32 s0, s17;
	s23 =	sadd.s32 s3, s25;
	s15 =	sadd.s32 s0, s25  }
0x1b: {  	s16 =	sadd.s32 s3, s30;
	s10 =	sadd.s32 s0, s26;
	s4 =	sadd.s32 s0, s30  }
0x1c: {  	s17 =	simm.s32 $0xF428;
	p2 =	sne.s32 s28, $0x0;
	[dreg:$0x6] =	wrdreg s21  }
.Ltmp0:
0x1d: {  	s25 =	simm.s32 $0x19528;
	[dreg:$0x11] =	wrdreg s19;
	(pc) =	sbr.rel @!p2 .LBB2_5-.Ltmp0, $4  }
0x1e: {  	s21 =	sadd.s32 $0x960, s6;
	[dreg:$0x12] =	wrdreg s20;
	s20 =	sadd.s32 s3, s26  }
0x1f: {  	s6 =	sadd.s32 $0x15E0, s6;
	s26 =	simm.s32 $0x15828;
	s24 =	sadd.s32 s3, s21  }
0x20: {  	s19 =	sadd.s32 s0, s21;
	s11 =	sadd.s32 s3, s6;
	s3 =	sadd.s32 s0, s6  }
0x21: {  	s6 =	simm.s32 $0x5;
	s21 =	simm.s32 $0x1;
	s0 =	rddreg [dreg:$0x5]  }
0x22: {  	[dreg:$0x13] =	wrdreg s28  }
0x23: {  	[tilespmem:s17], [sflag:$0x1] =	stream.linear.gather [hbm4b:s0+s1], $0x1900, $0x38;
	[tilespmem:$0x1D228] =	vst v63  }
0x24: {  	s28 =	rddreg [dreg:$0x6]  }
0x25: {  	[tilespmem:s9], [sflag:$0x2] =	stream.linear.gather [hbm4b:s28+s1], $0x1900, $0x38;
	[tilespmem:$0x1D228] =	vst v63  }
0x26: {  	s29 =	rddreg [dreg:$0x7]  }
0x27: {  	[tilespmem:s26], [sflag:$0x3] =	stream.linear.gather [hbm4b:s29+s1], $0x3D00, $0x38;
	[tilespmem:$0x1D228] =	vst v63  }
0x28: {  	_ =	swait.ge [sflag:s8], $0x3D00  }
0x29: {  	[sflag:s8] =	ssyncset.done $0x0  }
0x2a: {  	s29 =	rddreg [dreg:$0x8];
	[sflag:s8] =	ssyncadd.s32 $0xFFFFC300  }
0x2b: {  	[spmem:s29] =	stream.linear.scatter [tilespmem:s26], [sflag:$0x5], $0x3D00, $0x38;
	[tilespmem:$0x1D228] =	vst v63  }
0x2c: {  	s28 =	rddreg [dreg:$0x9]  }
0x2d: {  	[tilespmem:s25], [sflag:$0x4] =	stream.linear.gather [hbm4b:s28+s1], $0x3D00, $0x38;
	[tilespmem:$0x1D228] =	vst v63  }
0x2e: {  	_ =	swait.ge [sflag:s7], $0x3D00  }
0x2f: {  	[sflag:s7] =	ssyncset.done $0x0  }
0x30: {  	s29 =	rddreg [dreg:$0xa];
	[sflag:s7] =	ssyncadd.s32 $0xFFFFC300  }
0x31: {  	[spmem:s29] =	stream.linear.scatter [tilespmem:s25], [sflag:$0x6], $0x3D00, $0x38;
	[tilespmem:$0x1D228] =	vst v63  }
0x32: {  	_ =	swait.ge [sflag:s6], $0x3D00  }
0x33: {  	[sflag:s6] =	ssyncset.done $0x0  }
0x34: {  	s29 =	rddreg [dreg:$0xb];
	[sflag:s6] =	ssyncadd.s32 $0xFFFFC300  }
0x35: {  	[tilespmem:s26], [sflag:$0x3] =	stream.linear.gather [hbm4b:s29+s1], $0x3D00, $0x38;
	[tilespmem:$0x1D228] =	vst v63  }
0x36: {  	_ =	swait.ge [sflag:s8], $0x3D00  }
0x37: {  	[sflag:s8] =	ssyncset.done $0x0  }
0x38: {  	s29 =	rddreg [dreg:$0xc];
	[sflag:s8] =	ssyncadd.s32 $0xFFFFC300  }
0x39: {  	[spmem:s29] =	stream.linear.scatter [tilespmem:s26], [sflag:$0x5], $0x3D00, $0x38;
	[tilespmem:$0x1D228] =	vst v63  }
0x3a: {  	_ =	swait.ge [sflag:s5], $0x3D00  }
0x3b: {  	[sflag:s5] =	ssyncset.done $0x0  }
0x3c: {  	s29 =	rddreg [dreg:$0xd];
	[sflag:s5] =	ssyncadd.s32 $0xFFFFC300  }
0x3d: {  	[tilespmem:s25], [sflag:$0x4] =	stream.linear.gather [hbm4b:s29+s1], $0x3D00, $0x38;
	[tilespmem:$0x1D228] =	vst v63  }
0x3e: {  	_ =	swait.ge [sflag:s7], $0x3D00  }
0x3f: {  	[sflag:s7] =	ssyncset.done $0x0  }
0x40: {  	s29 =	rddreg [dreg:$0xe];
	[sflag:s7] =	ssyncadd.s32 $0xFFFFC300  }
0x41: {  	[spmem:s29] =	stream.linear.scatter [tilespmem:s25], [sflag:$0x6], $0x3D00, $0x38;
	[tilespmem:$0x1D228] =	vst v63  }
0x42: {  	_ =	swait.ge [sflag:s6], $0x3D00  }
0x43: {  	[sflag:s6] =	ssyncset.done $0x0  }
0x44: {  	[sflag:s6] =	ssyncadd.s32 $0xFFFFC300  }
0x45: {  	_ =	swait.ge [sflag:s5], $0x3D00  }
0x46: {  	s30 =	simm.s32 @!p0 $0x15828;
	s28 =	simm.s32 @!p0 $0x7;
	[sflag:s5] =	ssyncset.done $0x0  }
0x47: {  	s29 =	simm.s32 @!p0 $0x0;
	s0 =	rddreg [dreg:$0x4];
	[sflag:s5] =	ssyncadd.s32 $0xFFFFC300  }
0x48: {  	[tilespmem:s30], [sflag:$0x7] =	stream.linear.gather @!p0 [hbm4b:s0+s29], $0x240, $0x38;
	[tilespmem:$0x1D228] =	vst v63  }
0x49: {  	_ =	swait.ge @!p0 [sflag:s28], $0x240  }
0x4a: {  	[sflag:s28] =	ssyncset.done @!p0 $0x0  }
0x4b: {  	s0 =	rddreg [dreg:$0xf];
	[sflag:s28] =	ssyncadd.s32 @!p0 $0xFFFFFDC0  }
0x4c: {  	[spmem:s0] =	stream.linear.scatter @!p0 [tilespmem:s30], [sflag:$0x7], $0x240, $0x38;
	[tilespmem:$0x1D228] =	vst v63  }
0x4d: {  	_ =	swait.ge @!p0 [sflag:s28], $0x240  }
0x4e: {  	[sflag:s28] =	ssyncset.done @!p0 $0x0  }
0x4f: {  	[sflag:s28] =	ssyncadd.s32 @!p0 $0xFFFFFDC0  }
0x50: {  	[bflag:$0x0] =	sbarrier.arrive $0xFFFF  }
0x51: {  	_ =	swait.ge [sflag:s21], $0x1900  }
0x52: {  	[sflag:s21] =	ssyncset.done $0x0  }
0x53: {  	[sflag:s21] =	ssyncadd.s32 $0xFFFFE700  }
0x54: {  	[tilespmem:s12], [sflag:$0x3] =	stream.indirect.gather [spmem:s2], $0x1, s17, s14, $0xb8;
	[tilespmem:$0x1D228] =	vst v63  }
0x55: {  	_ =	swait.ge [sflag:s18], $0x1900  }
0x56: {  	[sflag:s18] =	ssyncset.done $0x0  }
0x57: {  	[sflag:s18] =	ssyncadd.s32 $0xFFFFE700  }
0x58: {  	[tilespmem:s13], [sflag:$0x4] =	stream.indirect.gather [spmem:s2], $0x1, s9, s14, $0xb8;
	[tilespmem:$0x1D228] =	vst v63  }
0x59: {  	_ =	swait.ge [sflag:s8], $0x1900  }
0x5a: {  	[sflag:s8] =	ssyncset.done $0x0  }
0x5b: {  	s29 =	rddreg [dreg:$0x10];
	[sflag:s8] =	ssyncadd.s32 $0xFFFFE700  }
0x5c: {  	[hbm4b:s29+s1] =	stream.linear.scatter [tilespmem:s12], [sflag:$0x5], $0x1900, $0x38;
	[tilespmem:$0x1D228] =	vst v63  }
0x5d: {  	s31 =	rddreg [dreg:$0x11]  }
0x5e: {  	[tilespmem:s17], [sflag:$0x1] =	stream.linear.gather [hbm4b:s31+s1], $0x1900, $0x38;
	[tilespmem:$0x1D228] =	vst v63  }
0x5f: {  	_ =	swait.ge [sflag:s6], $0x1900  }
0x60: {  	[sflag:s6] =	ssyncset.done $0x0  }
0x61: {  	[sflag:s6] =	ssyncadd.s32 $0xFFFFE700  }
0x62: {  	_ =	swait.ge [sflag:s21], $0x1900  }
0x63: {  	[sflag:s21] =	ssyncset.done $0x0  }
0x64: {  	[sflag:s21] =	ssyncadd.s32 $0xFFFFE700  }
0x65: {  	[tilespmem:s12], [sflag:$0x3] =	stream.indirect.gather [spmem:s2], $0x1, s17, s14, $0xb8;
	[tilespmem:$0x1D228] =	vst v63  }
0x66: {  	_ =	swait.ge [sflag:s7], $0x1900  }
0x67: {  	[sflag:s7] =	ssyncset.done $0x0  }
0x68: {  	s29 =	rddreg [dreg:$0x12];
	[sflag:s7] =	ssyncadd.s32 $0xFFFFE700  }
0x69: {  	[hbm4b:s29+s1] =	stream.linear.scatter [tilespmem:s13], [sflag:$0x6], $0x1900, $0x38;
	[tilespmem:$0x1D228] =	vst v63  }
0x6a: {  	_ = 	snop  }
0x6b: {  	[tilespmem:s9], [sflag:$0x2] =	stream.linear.gather [hbm4b:s24+s1], $0x1900, $0x38;
	[tilespmem:$0x1D228] =	vst v63  }
0x6c: {  	_ =	swait.ge [sflag:s5], $0x1900  }
0x6d: {  	[sflag:s5] =	ssyncset.done $0x0  }
0x6e: {  	[sflag:s5] =	ssyncadd.s32 $0xFFFFE700  }
0x6f: {  	_ =	swait.ge [sflag:s18], $0x1900  }
0x70: {  	[sflag:s18] =	ssyncset.done $0x0  }
0x71: {  	[sflag:s18] =	ssyncadd.s32 $0xFFFFE700  }
0x72: {  	[tilespmem:s13], [sflag:$0x4] =	stream.indirect.gather [spmem:s2], $0x1, s9, s14, $0xb8;
	[tilespmem:$0x1D228] =	vst v63  }
0x73: {  	_ =	swait.ge [sflag:s8], $0x1900  }
0x74: {  	[sflag:s8] =	ssyncset.done $0x0  }
0x75: {  	[sflag:s8] =	ssyncadd.s32 $0xFFFFE700  }
0x76: {  	[hbm4b:s22+s1] =	stream.linear.scatter [tilespmem:s12], [sflag:$0x5], $0x1900, $0x38;
	[tilespmem:$0x1D228] =	vst v63  }
0x77: {  	_ = 	snop  }
0x78: {  	[tilespmem:s17], [sflag:$0x1] =	stream.linear.gather [hbm4b:s23+s1], $0x1900, $0x38;
	[tilespmem:$0x1D228] =	vst v63  }
0x79: {  	_ =	swait.ge [sflag:s6], $0x1900  }
0x7a: {  	[sflag:s6] =	ssyncset.done $0x0  }
0x7b: {  	[sflag:s6] =	ssyncadd.s32 $0xFFFFE700  }
0x7c: {  	_ =	swait.ge [sflag:s21], $0x1900  }
0x7d: {  	[sflag:s21] =	ssyncset.done $0x0  }
0x7e: {  	[sflag:s21] =	ssyncadd.s32 $0xFFFFE700  }
0x7f: {  	[tilespmem:s12], [sflag:$0x3] =	stream.indirect.gather [spmem:s2], $0x1, s17, s14, $0xb8;
	[tilespmem:$0x1D228] =	vst v63  }
0x80: {  	_ =	swait.ge [sflag:s7], $0x1900  }
0x81: {  	[sflag:s7] =	ssyncset.done $0x0  }
0x82: {  	[sflag:s7] =	ssyncadd.s32 $0xFFFFE700  }
0x83: {  	[hbm4b:s19+s1] =	stream.linear.scatter [tilespmem:s13], [sflag:$0x6], $0x1900, $0x38;
	[tilespmem:$0x1D228] =	vst v63  }
0x84: {  	_ = 	snop  }
0x85: {  	[tilespmem:s9], [sflag:$0x2] =	stream.linear.gather [hbm4b:s20+s1], $0x1900, $0x38;
	[tilespmem:$0x1D228] =	vst v63  }
0x86: {  	_ =	swait.ge [sflag:s5], $0x1900  }
0x87: {  	[sflag:s5] =	ssyncset.done $0x0  }
0x88: {  	[sflag:s5] =	ssyncadd.s32 $0xFFFFE700  }
0x89: {  	_ =	swait.ge [sflag:s18], $0x1900  }
0x8a: {  	[sflag:s18] =	ssyncset.done $0x0  }
0x8b: {  	[sflag:s18] =	ssyncadd.s32 $0xFFFFE700  }
0x8c: {  	[tilespmem:s13], [sflag:$0x4] =	stream.indirect.gather [spmem:s2], $0x1, s9, s14, $0xb8;
	[tilespmem:$0x1D228] =	vst v63  }
0x8d: {  	_ =	swait.ge [sflag:s8], $0x1900  }
0x8e: {  	[sflag:s8] =	ssyncset.done $0x0  }
0x8f: {  	[sflag:s8] =	ssyncadd.s32 $0xFFFFE700  }
0x90: {  	[hbm4b:s15+s1] =	stream.linear.scatter [tilespmem:s12], [sflag:$0x5], $0x1900, $0x38;
	[tilespmem:$0x1D228] =	vst v63  }
0x91: {  	_ = 	snop  }
0x92: {  	[tilespmem:s17], [sflag:$0x1] =	stream.linear.gather [hbm4b:s16+s1], $0x1900, $0x38;
	[tilespmem:$0x1D228] =	vst v63  }
0x93: {  	_ =	swait.ge [sflag:s6], $0x1900  }
0x94: {  	[sflag:s6] =	ssyncset.done $0x0  }
0x95: {  	[sflag:s6] =	ssyncadd.s32 $0xFFFFE700  }
0x96: {  	_ =	swait.ge [sflag:s21], $0x1900  }
0x97: {  	[sflag:s21] =	ssyncset.done $0x0  }
0x98: {  	[sflag:s21] =	ssyncadd.s32 $0xFFFFE700  }
0x99: {  	[tilespmem:s12], [sflag:$0x3] =	stream.indirect.gather [spmem:s2], $0x1, s17, s14, $0xb8;
	[tilespmem:$0x1D228] =	vst v63  }
0x9a: {  	_ =	swait.ge [sflag:s7], $0x1900  }
0x9b: {  	[sflag:s7] =	ssyncset.done $0x0  }
0x9c: {  	[sflag:s7] =	ssyncadd.s32 $0xFFFFE700  }
0x9d: {  	[hbm4b:s10+s1] =	stream.linear.scatter [tilespmem:s13], [sflag:$0x6], $0x1900, $0x38;
	[tilespmem:$0x1D228] =	vst v63  }
0x9e: {  	_ = 	snop  }
0x9f: {  	[tilespmem:s9], [sflag:$0x2] =	stream.linear.gather [hbm4b:s11+s1], $0x1900, $0x38;
	[tilespmem:$0x1D228] =	vst v63  }
0xa0: {  	_ =	swait.ge [sflag:s5], $0x1900  }
0xa1: {  	[sflag:s5] =	ssyncset.done $0x0  }
0xa2: {  	[sflag:s5] =	ssyncadd.s32 $0xFFFFE700  }
0xa3: {  	_ =	swait.ge [sflag:s18], $0x1900  }
0xa4: {  	[sflag:s18] =	ssyncset.done $0x0  }
0xa5: {  	[sflag:s18] =	ssyncadd.s32 $0xFFFFE700  }
0xa6: {  	[tilespmem:s13], [sflag:$0x4] =	stream.indirect.gather [spmem:s2], $0x1, s9, s14, $0xb8;
	[tilespmem:$0x1D228] =	vst v63  }
0xa7: {  	_ =	swait.ge [sflag:s8], $0x1900  }
0xa8: {  	[sflag:s8] =	ssyncset.done $0x0  }
0xa9: {  	[sflag:s8] =	ssyncadd.s32 $0xFFFFE700  }
0xaa: {  	[hbm4b:s4+s1] =	stream.linear.scatter [tilespmem:s12], [sflag:$0x5], $0x1900, $0x38;
	[tilespmem:$0x1D228] =	vst v63  }
0xab: {  	_ =	swait.ge [sflag:s7], $0x1900  }
0xac: {  	[sflag:s7] =	ssyncset.done $0x0  }
0xad: {  	[sflag:s7] =	ssyncadd.s32 $0xFFFFE700  }
0xae: {  	[hbm4b:s3+s1] =	stream.linear.scatter [tilespmem:s13], [sflag:$0x6], $0x1900, $0x38;
	[tilespmem:$0x1D228] =	vst v63  }
0xaf: {  	_ =	swait.ge [sflag:s6], $0x1900  }
0xb0: {  	s29 =	rddreg [dreg:$0x13]  }
0xb1: {  	s31 =	sadd.s32 $0xFFFFFFFF, s29  }
0xb2: {  	p2 =	sne.s32 s31, $0x0  }
.Ltmp1:
0xb3: {  	_ = 	snop;
	(pc) =	sbr.rel @!p2 .LBB2_2-.Ltmp1, $4  }
0xb4: {  	[sflag:s6] =	ssyncset.done $0x0  }
0xb5: {  	[sflag:s6] =	ssyncadd.s32 $0xFFFFE700  }
0xb6: {  	_ =	swait.ge [sflag:s5], $0x1900  }
0xb7: {  	p1 =	por $0x1, $0x1;
	s0 =	rddreg [dreg:$0x5];
	[sflag:s5] =	ssyncset.done $0x0  }
.LBB2_3:
0xb8: {  	[sflag:s5] =	ssyncadd.s32 $0xFFFFE700  }
0xb9: {  	[tilespmem:s17], [sflag:$0x1] =	stream.linear.gather [hbm4b:s0+s1], $0x1900, $0x38;
	[tilespmem:$0x1D228] =	vst v63  }
0xba: {  	s29 =	rddreg [dreg:$0x6]  }
0xbb: {  	[tilespmem:s9], [sflag:$0x2] =	stream.linear.gather [hbm4b:s29+s1], $0x1900, $0x38;
	[tilespmem:$0x1D228] =	vst v63  }
0xbc: {  	s0 =	rddreg [dreg:$0x7]  }
0xbd: {  	[tilespmem:s26], [sflag:$0x3] =	stream.linear.gather [hbm4b:s0+s1], $0x3D00, $0x38;
	[tilespmem:$0x1D228] =	vst v63  }
0xbe: {  	_ =	swait.ge [sflag:s8], $0x3D00  }
0xbf: {  	[sflag:s8] =	ssyncset.done $0x0  }
0xc0: {  	s0 =	rddreg [dreg:$0x8];
	[sflag:s8] =	ssyncadd.s32 $0xFFFFC300  }
0xc1: {  	[spmem:s0] =	stream.linear.scatter [tilespmem:s26], [sflag:$0x5], $0x3D00, $0x38;
	[tilespmem:$0x1D228] =	vst v63  }
0xc2: {  	s29 =	rddreg [dreg:$0x9]  }
0xc3: {  	[tilespmem:s25], [sflag:$0x4] =	stream.linear.gather [hbm4b:s29+s1], $0x3D00, $0x38;
	[tilespmem:$0x1D228] =	vst v63  }
0xc4: {  	_ =	swait.ge [sflag:s7], $0x3D00  }
0xc5: {  	[sflag:s7] =	ssyncset.done $0x0  }
0xc6: {  	s29 =	rddreg [dreg:$0xa];
	[sflag:s7] =	ssyncadd.s32 $0xFFFFC300  }
0xc7: {  	[spmem:s29] =	stream.linear.scatter [tilespmem:s25], [sflag:$0x6], $0x3D00, $0x38;
	[tilespmem:$0x1D228] =	vst v63  }
0xc8: {  	_ =	swait.ge [sflag:s6], $0x3D00  }
0xc9: {  	[sflag:s6] =	ssyncset.done $0x0  }
0xca: {  	s29 =	rddreg [dreg:$0xb];
	[sflag:s6] =	ssyncadd.s32 $0xFFFFC300  }
0xcb: {  	[tilespmem:s26], [sflag:$0x3] =	stream.linear.gather [hbm4b:s29+s1], $0x3D00, $0x38;
	[tilespmem:$0x1D228] =	vst v63  }
0xcc: {  	_ =	swait.ge [sflag:s8], $0x3D00  }
0xcd: {  	[sflag:s8] =	ssyncset.done $0x0  }
0xce: {  	s29 =	rddreg [dreg:$0xc];
	[sflag:s8] =	ssyncadd.s32 $0xFFFFC300  }
0xcf: {  	[spmem:s29] =	stream.linear.scatter [tilespmem:s26], [sflag:$0x5], $0x3D00, $0x38;
	[tilespmem:$0x1D228] =	vst v63  }
0xd0: {  	_ =	swait.ge [sflag:s5], $0x3D00  }
0xd1: {  	[sflag:s5] =	ssyncset.done $0x0  }
0xd2: {  	s29 =	rddreg [dreg:$0xd];
	[sflag:s5] =	ssyncadd.s32 $0xFFFFC300  }
0xd3: {  	[tilespmem:s25], [sflag:$0x4] =	stream.linear.gather [hbm4b:s29+s1], $0x3D00, $0x38;
	[tilespmem:$0x1D228] =	vst v63  }
0xd4: {  	_ =	swait.ge [sflag:s7], $0x3D00  }
0xd5: {  	[sflag:s7] =	ssyncset.done $0x0  }
0xd6: {  	s29 =	rddreg [dreg:$0xe];
	[sflag:s7] =	ssyncadd.s32 $0xFFFFC300  }
0xd7: {  	[spmem:s29] =	stream.linear.scatter [tilespmem:s25], [sflag:$0x6], $0x3D00, $0x38;
	[tilespmem:$0x1D228] =	vst v63  }
0xd8: {  	_ =	swait.ge [sflag:s6], $0x3D00  }
0xd9: {  	[sflag:s6] =	ssyncset.done $0x0  }
0xda: {  	[sflag:s6] =	ssyncadd.s32 $0xFFFFC300  }
0xdb: {  	_ =	swait.ge [sflag:s5], $0x3D00  }
0xdc: {  	[sflag:s5] =	ssyncset.done $0x0  }
0xdd: {  	s29 =	simm.s32 @!p0 $0x0;
	s0 =	rddreg [dreg:$0x4];
	[sflag:s5] =	ssyncadd.s32 $0xFFFFC300  }
0xde: {  	[tilespmem:s30], [sflag:$0x7] =	stream.linear.gather @!p0 [hbm4b:s0+s29], $0x240, $0x38;
	[tilespmem:$0x1D228] =	vst v63  }
0xdf: {  	_ =	swait.ge @!p0 [sflag:s28], $0x240  }
0xe0: {  	[sflag:s28] =	ssyncset.done @!p0 $0x0  }
0xe1: {  	s0 =	rddreg [dreg:$0xf];
	[sflag:s28] =	ssyncadd.s32 @!p0 $0xFFFFFDC0  }
0xe2: {  	[spmem:s0] =	stream.linear.scatter @!p0 [tilespmem:s30], [sflag:$0x7], $0x240, $0x38;
	[tilespmem:$0x1D228] =	vst v63  }
0xe3: {  	_ =	swait.ge @!p0 [sflag:s28], $0x240  }
0xe4: {  	[sflag:s28] =	ssyncset.done @!p0 $0x0  }
0xe5: {  	[sflag:s28] =	ssyncadd.s32 @!p0 $0xFFFFFDC0  }
0xe6: {  	[bflag:$0x0] =	sbarrier.arrive $0xFFFF  }
0xe7: {  	_ =	swait.ge [sflag:s21], $0x1900  }
0xe8: {  	[sflag:s21] =	ssyncset.done $0x0  }
0xe9: {  	[sflag:s21] =	ssyncadd.s32 $0xFFFFE700  }
0xea: {  	[tilespmem:s12], [sflag:$0x3] =	stream.indirect.gather [spmem:s2], $0x1, s17, s14, $0xb8;
	[tilespmem:$0x1D228] =	vst v63  }
0xeb: {  	_ =	swait.ge [sflag:s18], $0x1900  }
0xec: {  	[sflag:s18] =	ssyncset.done $0x0  }
0xed: {  	[sflag:s18] =	ssyncadd.s32 $0xFFFFE700  }
0xee: {  	[tilespmem:s13], [sflag:$0x4] =	stream.indirect.gather [spmem:s2], $0x1, s9, s14, $0xb8;
	[tilespmem:$0x1D228] =	vst v63  }
0xef: {  	_ =	swait.ge [sflag:s8], $0x1900  }
0xf0: {  	[sflag:s8] =	ssyncset.done $0x0  }
0xf1: {  	s0 =	rddreg [dreg:$0x10];
	[sflag:s8] =	ssyncadd.s32 $0xFFFFE700  }
0xf2: {  	[hbm4b:s0+s1] =	stream.linear.scatter [tilespmem:s12], [sflag:$0x5], $0x1900, $0x38;
	[tilespmem:$0x1D228] =	vst v63  }
0xf3: {  	s29 =	rddreg [dreg:$0x11]  }
0xf4: {  	[tilespmem:s17], [sflag:$0x1] =	stream.linear.gather [hbm4b:s29+s1], $0x1900, $0x38;
	[tilespmem:$0x1D228] =	vst v63  }
0xf5: {  	_ =	swait.ge [sflag:s6], $0x1900  }
0xf6: {  	[sflag:s6] =	ssyncset.done $0x0  }
0xf7: {  	[sflag:s6] =	ssyncadd.s32 $0xFFFFE700  }
0xf8: {  	_ =	swait.ge [sflag:s21], $0x1900  }
0xf9: {  	[sflag:s21] =	ssyncset.done $0x0  }
0xfa: {  	[sflag:s21] =	ssyncadd.s32 $0xFFFFE700  }
0xfb: {  	[tilespmem:s12], [sflag:$0x3] =	stream.indirect.gather [spmem:s2], $0x1, s17, s14, $0xb8;
	[tilespmem:$0x1D228] =	vst v63  }
0xfc: {  	_ =	swait.ge [sflag:s7], $0x1900  }
0xfd: {  	[sflag:s7] =	ssyncset.done $0x0  }
0xfe: {  	s29 =	rddreg [dreg:$0x12];
	[sflag:s7] =	ssyncadd.s32 $0xFFFFE700  }
0xff: {  	[hbm4b:s29+s1] =	stream.linear.scatter [tilespmem:s13], [sflag:$0x6], $0x1900, $0x38;
	[tilespmem:$0x1D228] =	vst v63  }
0x100: {  	_ = 	snop  }
0x101: {  	[tilespmem:s9], [sflag:$0x2] =	stream.linear.gather [hbm4b:s24+s1], $0x1900, $0x38;
	[tilespmem:$0x1D228] =	vst v63  }
0x102: {  	_ =	swait.ge [sflag:s5], $0x1900  }
0x103: {  	[sflag:s5] =	ssyncset.done $0x0  }
0x104: {  	[sflag:s5] =	ssyncadd.s32 $0xFFFFE700  }
0x105: {  	_ =	swait.ge [sflag:s18], $0x1900  }
0x106: {  	[sflag:s18] =	ssyncset.done $0x0  }
0x107: {  	[sflag:s18] =	ssyncadd.s32 $0xFFFFE700  }
0x108: {  	[tilespmem:s13], [sflag:$0x4] =	stream.indirect.gather [spmem:s2], $0x1, s9, s14, $0xb8;
	[tilespmem:$0x1D228] =	vst v63  }
0x109: {  	_ =	swait.ge [sflag:s8], $0x1900  }
0x10a: {  	[sflag:s8] =	ssyncset.done $0x0  }
0x10b: {  	[sflag:s8] =	ssyncadd.s32 $0xFFFFE700  }
0x10c: {  	[hbm4b:s22+s1] =	stream.linear.scatter [tilespmem:s12], [sflag:$0x5], $0x1900, $0x38;
	[tilespmem:$0x1D228] =	vst v63  }
0x10d: {  	_ = 	snop  }
0x10e: {  	[tilespmem:s17], [sflag:$0x1] =	stream.linear.gather [hbm4b:s23+s1], $0x1900, $0x38;
	[tilespmem:$0x1D228] =	vst v63  }
0x10f: {  	_ =	swait.ge [sflag:s6], $0x1900  }
0x110: {  	[sflag:s6] =	ssyncset.done $0x0  }
0x111: {  	[sflag:s6] =	ssyncadd.s32 $0xFFFFE700  }
0x112: {  	_ =	swait.ge [sflag:s21], $0x1900  }
0x113: {  	[sflag:s21] =	ssyncset.done $0x0  }
0x114: {  	[sflag:s21] =	ssyncadd.s32 $0xFFFFE700  }
0x115: {  	[tilespmem:s12], [sflag:$0x3] =	stream.indirect.gather [spmem:s2], $0x1, s17, s14, $0xb8;
	[tilespmem:$0x1D228] =	vst v63  }
0x116: {  	_ =	swait.ge [sflag:s7], $0x1900  }
0x117: {  	[sflag:s7] =	ssyncset.done $0x0  }
0x118: {  	[sflag:s7] =	ssyncadd.s32 $0xFFFFE700  }
0x119: {  	[hbm4b:s19+s1] =	stream.linear.scatter [tilespmem:s13], [sflag:$0x6], $0x1900, $0x38;
	[tilespmem:$0x1D228] =	vst v63  }
0x11a: {  	_ = 	snop  }
0x11b: {  	[tilespmem:s9], [sflag:$0x2] =	stream.linear.gather [hbm4b:s20+s1], $0x1900, $0x38;
	[tilespmem:$0x1D228] =	vst v63  }
0x11c: {  	_ =	swait.ge [sflag:s5], $0x1900  }
0x11d: {  	[sflag:s5] =	ssyncset.done $0x0  }
0x11e: {  	[sflag:s5] =	ssyncadd.s32 $0xFFFFE700  }
0x11f: {  	_ =	swait.ge [sflag:s18], $0x1900  }
0x120: {  	[sflag:s18] =	ssyncset.done $0x0  }
0x121: {  	[sflag:s18] =	ssyncadd.s32 $0xFFFFE700  }
0x122: {  	[tilespmem:s13], [sflag:$0x4] =	stream.indirect.gather [spmem:s2], $0x1, s9, s14, $0xb8;
	[tilespmem:$0x1D228] =	vst v63  }
0x123: {  	_ =	swait.ge [sflag:s8], $0x1900  }
0x124: {  	[sflag:s8] =	ssyncset.done $0x0  }
0x125: {  	[sflag:s8] =	ssyncadd.s32 $0xFFFFE700  }
0x126: {  	[hbm4b:s15+s1] =	stream.linear.scatter [tilespmem:s12], [sflag:$0x5], $0x1900, $0x38;
	[tilespmem:$0x1D228] =	vst v63  }
0x127: {  	_ = 	snop  }
0x128: {  	[tilespmem:s17], [sflag:$0x1] =	stream.linear.gather [hbm4b:s16+s1], $0x1900, $0x38;
	[tilespmem:$0x1D228] =	vst v63  }
0x129: {  	_ =	swait.ge [sflag:s6], $0x1900  }
0x12a: {  	[sflag:s6] =	ssyncset.done $0x0  }
0x12b: {  	[sflag:s6] =	ssyncadd.s32 $0xFFFFE700  }
0x12c: {  	_ =	swait.ge [sflag:s21], $0x1900  }
0x12d: {  	[sflag:s21] =	ssyncset.done $0x0  }
0x12e: {  	[sflag:s21] =	ssyncadd.s32 $0xFFFFE700  }
0x12f: {  	[tilespmem:s12], [sflag:$0x3] =	stream.indirect.gather [spmem:s2], $0x1, s17, s14, $0xb8;
	[tilespmem:$0x1D228] =	vst v63  }
0x130: {  	_ =	swait.ge [sflag:s7], $0x1900  }
0x131: {  	[sflag:s7] =	ssyncset.done $0x0  }
0x132: {  	[sflag:s7] =	ssyncadd.s32 $0xFFFFE700  }
0x133: {  	[hbm4b:s10+s1] =	stream.linear.scatter [tilespmem:s13], [sflag:$0x6], $0x1900, $0x38;
	[tilespmem:$0x1D228] =	vst v63  }
0x134: {  	_ = 	snop  }
0x135: {  	[tilespmem:s9], [sflag:$0x2] =	stream.linear.gather [hbm4b:s11+s1], $0x1900, $0x38;
	[tilespmem:$0x1D228] =	vst v63  }
0x136: {  	_ =	swait.ge [sflag:s5], $0x1900  }
0x137: {  	[sflag:s5] =	ssyncset.done $0x0  }
0x138: {  	[sflag:s5] =	ssyncadd.s32 $0xFFFFE700  }
0x139: {  	_ =	swait.ge [sflag:s18], $0x1900  }
0x13a: {  	[sflag:s18] =	ssyncset.done $0x0  }
0x13b: {  	[sflag:s18] =	ssyncadd.s32 $0xFFFFE700  }
0x13c: {  	[tilespmem:s13], [sflag:$0x4] =	stream.indirect.gather [spmem:s2], $0x1, s9, s14, $0xb8;
	[tilespmem:$0x1D228] =	vst v63  }
0x13d: {  	_ =	swait.ge [sflag:s8], $0x1900  }
0x13e: {  	[sflag:s8] =	ssyncset.done $0x0  }
0x13f: {  	[sflag:s8] =	ssyncadd.s32 $0xFFFFE700  }
0x140: {  	[hbm4b:s4+s1] =	stream.linear.scatter [tilespmem:s12], [sflag:$0x5], $0x1900, $0x38;
	[tilespmem:$0x1D228] =	vst v63  }
0x141: {  	_ =	swait.ge [sflag:s7], $0x1900  }
0x142: {  	s31 =	sadd.s32 $0xFFFFFFFF, s31;
	[sflag:s7] =	ssyncset.done $0x0  }
0x143: {  	p2 =	sne.s32 s31, $0x0;
	[sflag:s7] =	ssyncadd.s32 $0xFFFFE700  }
0x144: {  	[hbm4b:s3+s1] =	stream.linear.scatter [tilespmem:s13], [sflag:$0x6], $0x1900, $0x38;
	[tilespmem:$0x1D228] =	vst v63  }
.Ltmp2:
0x145: {  	_ =	swait.ge [sflag:s6], $0x1900;
	(pc) =	sbr.rel @p2 .LBB2_3-.Ltmp2, $4  }
0x146: {  	[sflag:s6] =	ssyncset.done $0x0  }
0x147: {  	[sflag:s6] =	ssyncadd.s32 $0xFFFFE700  }
0x148: {  	_ =	swait.ge [sflag:s5], $0x1900  }
0x149: {  	s0 =	rddreg [dreg:$0x5];
	[sflag:s5] =	ssyncset.done $0x0  }
0x14a: {  	s29 =	rddreg [dreg:$0x3]  }
.LBB2_5:
0x14b: {  	[sflag:s5] =	ssyncadd.s32 @p1 $0xFFFFE700  }
0x14c: {  	[tilespmem:s17], [sflag:$0x1] =	stream.linear.gather [hbm4b:s0+s1], $0x1900, $0x38;
	[tilespmem:$0x1D228] =	vst v63  }
0x14d: {  	s28 =	rddreg [dreg:$0x6]  }
0x14e: {  	[tilespmem:s9], [sflag:$0x2] =	stream.linear.gather [hbm4b:s28+s1], $0x1900, $0x38;
	[tilespmem:$0x1D228] =	vst v63  }
0x14f: {  	s30 =	rddreg [dreg:$0x7]  }
0x150: {  	[tilespmem:s26], [sflag:$0x3] =	stream.linear.gather [hbm4b:s30+s1], $0x3D00, $0x38;
	[tilespmem:$0x1D228] =	vst v63  }
0x151: {  	_ =	swait.ge [sflag:s8], $0x3D00  }
0x152: {  	[sflag:s8] =	ssyncset.done $0x0  }
0x153: {  	s31 =	rddreg [dreg:$0x8];
	[sflag:s8] =	ssyncadd.s32 $0xFFFFC300  }
0x154: {  	[spmem:s31] =	stream.linear.scatter [tilespmem:s26], [sflag:$0x5], $0x3D00, $0x38;
	[tilespmem:$0x1D228] =	vst v63  }
0x155: {  	s30 =	rddreg [dreg:$0x9]  }
0x156: {  	[tilespmem:s25], [sflag:$0x4] =	stream.linear.gather [hbm4b:s30+s1], $0x3D00, $0x38;
	[tilespmem:$0x1D228] =	vst v63  }
0x157: {  	_ =	swait.ge [sflag:s7], $0x3D00  }
0x158: {  	[sflag:s7] =	ssyncset.done $0x0  }
0x159: {  	s31 =	rddreg [dreg:$0xa];
	[sflag:s7] =	ssyncadd.s32 $0xFFFFC300  }
0x15a: {  	[spmem:s31] =	stream.linear.scatter [tilespmem:s25], [sflag:$0x6], $0x3D00, $0x38;
	[tilespmem:$0x1D228] =	vst v63  }
0x15b: {  	_ =	swait.ge [sflag:s6], $0x3D00  }
0x15c: {  	[sflag:s6] =	ssyncset.done $0x0  }
0x15d: {  	s28 =	rddreg [dreg:$0xb];
	[sflag:s6] =	ssyncadd.s32 $0xFFFFC300  }
0x15e: {  	[tilespmem:s26], [sflag:$0x3] =	stream.linear.gather [hbm4b:s28+s1], $0x3D00, $0x38;
	[tilespmem:$0x1D228] =	vst v63  }
0x15f: {  	_ =	swait.ge [sflag:s8], $0x3D00  }
0x160: {  	[sflag:s8] =	ssyncset.done $0x0  }
0x161: {  	s30 =	rddreg [dreg:$0xc];
	[sflag:s8] =	ssyncadd.s32 $0xFFFFC300  }
0x162: {  	[spmem:s30] =	stream.linear.scatter [tilespmem:s26], [sflag:$0x5], $0x3D00, $0x38;
	[tilespmem:$0x1D228] =	vst v63  }
0x163: {  	_ =	swait.ge [sflag:s5], $0x3D00  }
0x164: {  	[sflag:s5] =	ssyncset.done $0x0  }
0x165: {  	s31 =	rddreg [dreg:$0xd];
	[sflag:s5] =	ssyncadd.s32 $0xFFFFC300  }
0x166: {  	[tilespmem:s25], [sflag:$0x4] =	stream.linear.gather [hbm4b:s31+s1], $0x3D00, $0x38;
	[tilespmem:$0x1D228] =	vst v63  }
0x167: {  	_ =	swait.ge [sflag:s7], $0x3D00  }
0x168: {  	[sflag:s7] =	ssyncset.done $0x0  }
0x169: {  	s26 =	rddreg [dreg:$0xe];
	[sflag:s7] =	ssyncadd.s32 $0xFFFFC300  }
0x16a: {  	[spmem:s26] =	stream.linear.scatter [tilespmem:s25], [sflag:$0x6], $0x3D00, $0x38;
	[tilespmem:$0x1D228] =	vst v63  }
0x16b: {  	_ =	swait.ge [sflag:s6], $0x3D00  }
0x16c: {  	[sflag:s6] =	ssyncset.done $0x0  }
0x16d: {  	[sflag:s6] =	ssyncadd.s32 $0xFFFFC300  }
0x16e: {  	_ =	swait.ge [sflag:s5], $0x3D00  }
0x16f: {  	s25 =	simm.s32 @!p0 $0x0;
	[sflag:s5] =	ssyncset.done $0x0  }
0x170: {  	s26 =	simm.s32 @!p0 $0x15828;
	s0 =	rddreg [dreg:$0x4];
	[sflag:s5] =	ssyncadd.s32 $0xFFFFC300  }
0x171: {  	[tilespmem:s26], [sflag:$0x7] =	stream.linear.gather @!p0 [hbm4b:s0+s25], $0x240, $0x38;
	[tilespmem:$0x1D228] =	vst v63  }
0x172: {  	s0 =	simm.s32 @!p0 $0x7  }
0x173: {  	_ =	swait.ge @!p0 [sflag:s0], $0x240  }
0x174: {  	[sflag:s0] =	ssyncset.done @!p0 $0x0  }
0x175: {  	s25 =	rddreg [dreg:$0xf];
	[sflag:s0] =	ssyncadd.s32 @!p0 $0xFFFFFDC0  }
0x176: {  	[spmem:s25] =	stream.linear.scatter @!p0 [tilespmem:s26], [sflag:$0x7], $0x240, $0x38;
	[tilespmem:$0x1D228] =	vst v63  }
0x177: {  	_ =	swait.ge @!p0 [sflag:s0], $0x240  }
0x178: {  	[sflag:s0] =	ssyncset.done @!p0 $0x0  }
0x179: {  	[sflag:s0] =	ssyncadd.s32 @!p0 $0xFFFFFDC0  }
0x17a: {  	[bflag:$0x0] =	sbarrier.arrive $0xFFFF  }
0x17b: {  	_ =	swait.ge [sflag:s21], $0x1900  }
0x17c: {  	[sflag:s21] =	ssyncset.done $0x0  }
0x17d: {  	[sflag:s21] =	ssyncadd.s32 $0xFFFFE700  }
0x17e: {  	[tilespmem:s12], [sflag:$0x3] =	stream.indirect.gather [spmem:s2], $0x1, s17, s14, $0xb8;
	[tilespmem:$0x1D228] =	vst v63  }
0x17f: {  	_ =	swait.ge [sflag:s18], $0x1900  }
0x180: {  	[sflag:s18] =	ssyncset.done $0x0  }
0x181: {  	[sflag:s18] =	ssyncadd.s32 $0xFFFFE700  }
0x182: {  	[tilespmem:s13], [sflag:$0x4] =	stream.indirect.gather [spmem:s2], $0x1, s9, s14, $0xb8;
	[tilespmem:$0x1D228] =	vst v63  }
0x183: {  	_ =	swait.ge [sflag:s8], $0x1900  }
0x184: {  	[sflag:s8] =	ssyncset.done $0x0  }
0x185: {  	s28 =	rddreg [dreg:$0x10];
	[sflag:s8] =	ssyncadd.s32 $0xFFFFE700  }
0x186: {  	[hbm4b:s28+s1] =	stream.linear.scatter [tilespmem:s12], [sflag:$0x5], $0x1900, $0x38;
	[tilespmem:$0x1D228] =	vst v63  }
0x187: {  	s30 =	rddreg [dreg:$0x11]  }
0x188: {  	[tilespmem:s17], [sflag:$0x1] =	stream.linear.gather [hbm4b:s30+s1], $0x1900, $0x38;
	[tilespmem:$0x1D228] =	vst v63  }
0x189: {  	_ =	swait.ge [sflag:s6], $0x1900  }
0x18a: {  	[sflag:s6] =	ssyncset.done $0x0  }
0x18b: {  	[sflag:s6] =	ssyncadd.s32 $0xFFFFE700  }
0x18c: {  	_ =	swait.ge [sflag:s21], $0x1900  }
0x18d: {  	[sflag:s21] =	ssyncset.done $0x0  }
0x18e: {  	[sflag:s21] =	ssyncadd.s32 $0xFFFFE700  }
0x18f: {  	[tilespmem:s12], [sflag:$0x3] =	stream.indirect.gather [spmem:s2], $0x1, s17, s14, $0xb8;
	[tilespmem:$0x1D228] =	vst v63  }
0x190: {  	_ =	swait.ge [sflag:s7], $0x1900  }
0x191: {  	[sflag:s7] =	ssyncset.done $0x0  }
0x192: {  	s31 =	rddreg [dreg:$0x12];
	[sflag:s7] =	ssyncadd.s32 $0xFFFFE700  }
0x193: {  	[hbm4b:s31+s1] =	stream.linear.scatter [tilespmem:s13], [sflag:$0x6], $0x1900, $0x38;
	[tilespmem:$0x1D228] =	vst v63  }
0x194: {  	_ = 	snop  }
0x195: {  	[tilespmem:s9], [sflag:$0x2] =	stream.linear.gather [hbm4b:s24+s1], $0x1900, $0x38;
	[tilespmem:$0x1D228] =	vst v63  }
0x196: {  	_ =	swait.ge [sflag:s5], $0x1900  }
0x197: {  	[sflag:s5] =	ssyncset.done $0x0  }
0x198: {  	[sflag:s5] =	ssyncadd.s32 $0xFFFFE700  }
0x199: {  	_ =	swait.ge [sflag:s18], $0x1900  }
0x19a: {  	[sflag:s18] =	ssyncset.done $0x0  }
0x19b: {  	[sflag:s18] =	ssyncadd.s32 $0xFFFFE700  }
0x19c: {  	[tilespmem:s13], [sflag:$0x4] =	stream.indirect.gather [spmem:s2], $0x1, s9, s14, $0xb8;
	[tilespmem:$0x1D228] =	vst v63  }
0x19d: {  	_ =	swait.ge [sflag:s8], $0x1900  }
0x19e: {  	[sflag:s8] =	ssyncset.done $0x0  }
0x19f: {  	[sflag:s8] =	ssyncadd.s32 $0xFFFFE700  }
0x1a0: {  	[hbm4b:s22+s1] =	stream.linear.scatter [tilespmem:s12], [sflag:$0x5], $0x1900, $0x38;
	[tilespmem:$0x1D228] =	vst v63  }
0x1a1: {  	_ = 	snop  }
0x1a2: {  	[tilespmem:s17], [sflag:$0x1] =	stream.linear.gather [hbm4b:s23+s1], $0x1900, $0x38;
	[tilespmem:$0x1D228] =	vst v63  }
0x1a3: {  	_ =	swait.ge [sflag:s6], $0x1900  }
0x1a4: {  	[sflag:s6] =	ssyncset.done $0x0  }
0x1a5: {  	[sflag:s6] =	ssyncadd.s32 $0xFFFFE700  }
0x1a6: {  	_ =	swait.ge [sflag:s21], $0x1900  }
0x1a7: {  	[sflag:s21] =	ssyncset.done $0x0  }
0x1a8: {  	[sflag:s21] =	ssyncadd.s32 $0xFFFFE700  }
0x1a9: {  	[tilespmem:s12], [sflag:$0x3] =	stream.indirect.gather [spmem:s2], $0x1, s17, s14, $0xb8;
	[tilespmem:$0x1D228] =	vst v63  }
0x1aa: {  	_ =	swait.ge [sflag:s7], $0x1900  }
0x1ab: {  	[sflag:s7] =	ssyncset.done $0x0  }
0x1ac: {  	[sflag:s7] =	ssyncadd.s32 $0xFFFFE700  }
0x1ad: {  	[hbm4b:s19+s1] =	stream.linear.scatter [tilespmem:s13], [sflag:$0x6], $0x1900, $0x38;
	[tilespmem:$0x1D228] =	vst v63  }
0x1ae: {  	_ = 	snop  }
0x1af: {  	[tilespmem:s9], [sflag:$0x2] =	stream.linear.gather [hbm4b:s20+s1], $0x1900, $0x38;
	[tilespmem:$0x1D228] =	vst v63  }
0x1b0: {  	_ =	swait.ge [sflag:s5], $0x1900  }
0x1b1: {  	[sflag:s5] =	ssyncset.done $0x0  }
0x1b2: {  	[sflag:s5] =	ssyncadd.s32 $0xFFFFE700  }
0x1b3: {  	_ =	swait.ge [sflag:s18], $0x1900  }
0x1b4: {  	[sflag:s18] =	ssyncset.done $0x0  }
0x1b5: {  	[sflag:s18] =	ssyncadd.s32 $0xFFFFE700  }
0x1b6: {  	[tilespmem:s13], [sflag:$0x4] =	stream.indirect.gather [spmem:s2], $0x1, s9, s14, $0xb8;
	[tilespmem:$0x1D228] =	vst v63  }
0x1b7: {  	_ =	swait.ge [sflag:s8], $0x1900  }
0x1b8: {  	[sflag:s8] =	ssyncset.done $0x0  }
0x1b9: {  	[sflag:s8] =	ssyncadd.s32 $0xFFFFE700  }
0x1ba: {  	[hbm4b:s15+s1] =	stream.linear.scatter [tilespmem:s12], [sflag:$0x5], $0x1900, $0x38;
	[tilespmem:$0x1D228] =	vst v63  }
0x1bb: {  	_ = 	snop  }
0x1bc: {  	[tilespmem:s17], [sflag:$0x1] =	stream.linear.gather [hbm4b:s16+s1], $0x1900, $0x38;
	[tilespmem:$0x1D228] =	vst v63  }
0x1bd: {  	_ =	swait.ge [sflag:s6], $0x1900  }
0x1be: {  	[sflag:s6] =	ssyncset.done $0x0  }
0x1bf: {  	[sflag:s6] =	ssyncadd.s32 $0xFFFFE700  }
0x1c0: {  	_ =	swait.ge [sflag:s21], $0x1900  }
0x1c1: {  	[sflag:s21] =	ssyncset.done $0x0  }
0x1c2: {  	[sflag:s21] =	ssyncadd.s32 $0xFFFFE700  }
0x1c3: {  	[tilespmem:s12], [sflag:$0x3] =	stream.indirect.gather [spmem:s2], $0x1, s17, s14, $0xb8;
	[tilespmem:$0x1D228] =	vst v63  }
0x1c4: {  	_ =	swait.ge [sflag:s7], $0x1900  }
0x1c5: {  	[sflag:s7] =	ssyncset.done $0x0  }
0x1c6: {  	[sflag:s7] =	ssyncadd.s32 $0xFFFFE700  }
0x1c7: {  	[hbm4b:s10+s1] =	stream.linear.scatter [tilespmem:s13], [sflag:$0x6], $0x1900, $0x38;
	[tilespmem:$0x1D228] =	vst v63  }
0x1c8: {  	_ = 	snop  }
0x1c9: {  	[tilespmem:s9], [sflag:$0x2] =	stream.linear.gather [hbm4b:s11+s1], $0x1900, $0x38;
	[tilespmem:$0x1D228] =	vst v63  }
0x1ca: {  	_ =	swait.ge [sflag:s5], $0x1900  }
0x1cb: {  	[sflag:s5] =	ssyncset.done $0x0  }
0x1cc: {  	[sflag:s5] =	ssyncadd.s32 $0xFFFFE700  }
0x1cd: {  	_ =	swait.ge [sflag:s18], $0x1900  }
0x1ce: {  	[sflag:s18] =	ssyncset.done $0x0  }
0x1cf: {  	[sflag:s18] =	ssyncadd.s32 $0xFFFFE700  }
0x1d0: {  	[tilespmem:s13], [sflag:$0x4] =	stream.indirect.gather [spmem:s2], $0x1, s9, s14, $0xb8;
	[tilespmem:$0x1D228] =	vst v63  }
0x1d1: {  	_ =	swait.ge [sflag:s8], $0x1900  }
0x1d2: {  	[sflag:s8] =	ssyncset.done $0x0  }
0x1d3: {  	[sflag:s8] =	ssyncadd.s32 $0xFFFFE700  }
0x1d4: {  	[hbm4b:s4+s1] =	stream.linear.scatter [tilespmem:s12], [sflag:$0x5], $0x1900, $0x38;
	[tilespmem:$0x1D228] =	vst v63  }
0x1d5: {  	_ =	swait.ge [sflag:s7], $0x1900  }
0x1d6: {  	[sflag:s7] =	ssyncset.done $0x0  }
0x1d7: {  	[sflag:s7] =	ssyncadd.s32 $0xFFFFE700  }
0x1d8: {  	[hbm4b:s3+s1] =	stream.linear.scatter [tilespmem:s13], [sflag:$0x6], $0x1900, $0x38;
	[tilespmem:$0x1D228] =	vst v63  }
0x1d9: {  	_ =	swait.ge [sflag:s6], $0x1900  }
0x1da: {  	[sflag:s6] =	ssyncset.done $0x0  }
0x1db: {  	[sflag:s6] =	ssyncadd.s32 $0xFFFFE700  }
0x1dc: {  	_ =	swait.ge [sflag:s5], $0x1900  }
0x1dd: {  	[sflag:s5] =	ssyncset.done $0x0  }
0x1de: {  	[sflag:s5] =	ssyncadd.s32 $0xFFFFE700  }
0x1df: {  	_ =	sfence.sel $0x180000  }
0x1e0: {  	[bflag:$0x0] =	sbarrier.arrive $0xFFFF  }
0x1e1: {  	_ =	strace $0x90000047  }
0x1e2: {  	s0 =	sadd.s32 @!p0 $0x100000, s29;
	[bflag:$0x2] =	sbarrier.arrive $0xFFFF  }
0x1e3: {  	[sflag:s0] =	ssyncadd.tile.s32 @!p0 $0x1;
	_ =	shalt  }
.LBB2_2:
.Ltmp3:
0x1e4: {  	(pc) =	sbr.rel .LBB2_5-.Ltmp3, $2  }
0x1e5: {  	_ =	sdelay $0x2  }
0x1e6: {  	s29 =	rddreg [dreg:$0x3]  }
.Lfunc_end2:
_tile_overlayer_lowered:
.L_overlay_start_2:
0x1e7: {  	(tag) =	ssettag $0x2  }
0x1e8: {  	s0 =	rddreg [dreg:$0x0];
	s2 =	stileid.u32  }
0x1e9: {  	s1 =	rddreg [dreg:$0x1];
	p0 =	sne.s32 s2, $0x0  }
0x1ea: {  	s3 =	rddreg [dreg:$0x2];
	[bflag:$0x3] =	sbarrier.arrive $0xFFFF;
	s2 =	simm.s32 @!p0 $0x1C07  }
0x1eb: {  	[timem:s3], [sflag:s2] =	dma.local @!p0 [hbm:s0], s1  }
0x1ec: {  	s0 =	simm.s32 @!p0 $0x7  }
0x1ed: {  	_ =	swait.ge @!p0 [sflag:s0], s1  }
0x1ee: {  	s1 =	ssub.s32 @!p0 $0x0, s1;
	[sflag:s0] =	ssyncset.done @!p0 $0x0  }
0x1ef: {  	[sflag:s0] =	ssyncadd.s32 @!p0 s1  }
0x1f0: {  	[bflag:$0x3] =	sbarrier.arrive $0xFFFF  }
0x1f1: {  	_ =	shalt  }

</sc_bundles>
